<compile_context>
chip_gen: v7x
topology: tpu7x:2x2x1
jax: 0.10.2.dev20260603
libtpu: 0.0.44.dev20260713+nightly
codegen_flags: <defaults>
</compile_context>

<pallas_src>
import functools

import jax
import jax.numpy as jnp
from jax import lax
from jax.experimental import pallas as pl
from jax.experimental.pallas import tpu as pltpu
from jax.experimental.pallas import tpu_sc as plsc

_N = 4096
_M = 8192
_D = 512

_BI = 2048
_BJ = 2048
_JBLKS = _M // _BJ
_LANES = 128
_GRPS = _BJ // _LANES


def _argmin_body(x2_ref, y2_ref, xd_ref, y_ref, idx_ref, lv_ref, lc_ref):
    j = pl.program_id(1)

    mm = jax.lax.dot_general(
        2.0 * xd_ref[...], y_ref[...], (((1,), (1,)), ((), ())),
        preferred_element_type=jnp.float32)

    lane = lax.broadcasted_iota(
        jnp.int32, (_BI, _LANES), 1).astype(jnp.float32)
    x2 = x2_ref[...]

    @pl.when(j == 0)
    def _init():
        lv_ref[...] = jnp.full((_BI, _LANES), jnp.inf, jnp.float32)
        lc_ref[...] = jnp.zeros((_BI, _LANES), jnp.float32)

    lv = lv_ref[...]
    lc = lc_ref[...]
    for g in range(_GRPS):
        sqg = (x2 + y2_ref[:, g * _LANES:(g + 1) * _LANES]) \
            - mm[:, g * _LANES:(g + 1) * _LANES]
        col = lane + jnp.float32(j * _BJ + g * _LANES)
        upd = sqg < lv
        lc = jnp.where(upd, col, lc)
        lv = jnp.where(upd, sqg, lv)
    lv_ref[...] = lv
    lc_ref[...] = lc

    @pl.when(j == _JBLKS - 1)
    def _fin():
        d = jnp.sqrt(jnp.maximum(lv, 0.0))
        m = jnp.min(d, axis=1, keepdims=True)
        cand = jnp.min(jnp.where(d == m, lc, jnp.float32(_M)),
                       axis=1, keepdims=True)
        idx_ref[...] = cand.astype(jnp.int32)


def _nearest_idx(x, y, x2, y2):
    n_loc = x.shape[0]
    return pl.pallas_call(
        _argmin_body,
        grid=(n_loc // _BI, _JBLKS),
        in_specs=[
            pl.BlockSpec((_BI, 1), lambda i, j: (i, 0)),
            pl.BlockSpec((1, _BJ), lambda i, j: (0, j)),
            pl.BlockSpec((_BI, _D), lambda i, j: (i, 0)),
            pl.BlockSpec((_BJ, _D), lambda i, j: (j, 0)),
        ],
        out_specs=pl.BlockSpec((_BI, 1), lambda i, j: (i, 0)),
        out_shape=jax.ShapeDtypeStruct((n_loc, 1), jnp.int32),
        scratch_shapes=[
            pltpu.VMEM((_BI, _LANES), jnp.float32),
            pltpu.VMEM((_BI, _LANES), jnp.float32),
        ],
        compiler_params=pltpu.CompilerParams(
            dimension_semantics=("parallel", "arbitrary")),
    )(x2, y2, x, y)


def _make_sc_gather(n_loc):
    info = plsc.get_sparse_core_info()
    nc, ns = info.num_cores, info.num_subcores
    nw = nc * ns
    b_per_w = n_loc // nw
    mesh = plsc.VectorSubcoreMesh(core_axis_name="c", subcore_axis_name="s")

    @functools.partial(
        pl.kernel, mesh=mesh,
        out_type=jax.ShapeDtypeStruct((n_loc, _D), jnp.float32),
        scratch_types=[
            pltpu.VMEM((b_per_w,), jnp.int32),
            pltpu.VMEM((b_per_w, _D), jnp.float32),
            pltpu.SemaphoreType.DMA,
        ],
    )
    def _gather(table_hbm, idx_hbm, out_hbm, idx_v, rows_v, sem):
        wid = lax.axis_index("s") * nc + lax.axis_index("c")
        base = wid * b_per_w
        pltpu.sync_copy(idx_hbm.at[pl.ds(base, b_per_w)], idx_v)
        pltpu.async_copy(table_hbm.at[idx_v], rows_v, sem).wait()
        pltpu.sync_copy(rows_v, out_hbm.at[pl.ds(base, b_per_w)])

    return _gather


_BF = 1024


def _fuse_body(x_ref, a_ref, w1a_ref, w1b_ref, b1_ref, w2_ref, b2_ref, o_ref):
    x = x_ref[...]
    a = a_ref[...]
    h = (jnp.dot(x, w1a_ref[...], preferred_element_type=jnp.float32)
         + jnp.dot(a, w1b_ref[...], preferred_element_type=jnp.float32)
         + b1_ref[...])
    h = jnp.maximum(h, 0.0)
    z = jnp.sum(h * w2_ref[...], axis=1, keepdims=True) + b2_ref[...]
    w = jax.nn.sigmoid(z)
    o_ref[...] = w * x + (1.0 - w) * a


def _fuse(x, aligned, w1a, w1b, b1, w2row, b2):
    n_loc = x.shape[0]
    return pl.pallas_call(
        _fuse_body,
        grid=(n_loc // _BF,),
        in_specs=[
            pl.BlockSpec((_BF, _D), lambda i: (i, 0)),
            pl.BlockSpec((_BF, _D), lambda i: (i, 0)),
            pl.BlockSpec((_D, _D), lambda i: (0, 0)),
            pl.BlockSpec((_D, _D), lambda i: (0, 0)),
            pl.BlockSpec((1, _D), lambda i: (0, 0)),
            pl.BlockSpec((1, _D), lambda i: (0, 0)),
            pl.BlockSpec((1, 1), lambda i: (0, 0)),
        ],
        out_specs=pl.BlockSpec((_BF, _D), lambda i: (i, 0)),
        out_shape=jax.ShapeDtypeStruct((n_loc, _D), jnp.float32),
        compiler_params=pltpu.CompilerParams(
            dimension_semantics=("parallel",)),
    )(x, aligned, w1a, w1b, b1, w2row, b2)


def kernel(clear_feature, rain_feature, W1, b1, W2, b2):
    x, y = clear_feature, rain_feature
    x2 = jnp.sum(x * x, axis=-1, keepdims=True)
    y2 = jnp.sum(y * y, axis=-1, keepdims=True).T

    idx = _nearest_idx(x, y, x2, y2)
    aligned = _make_sc_gather(_N)(y, idx.reshape(_N))

    w1a = W1[:_D]
    w1b = W1[_D:]
    return _fuse(x, aligned, w1a, w1b, b1.reshape(1, _D),
                 W2.reshape(1, _D), b2.reshape(1, 1))

# --- scband reference (transcript-rebuilt; emitter-appended) ---
"""Pipeline reference for scband-attention-fusion-17712445129136 (READ-ONLY COPY).

The authoritative reference and input builder live on the scoring server;
editing this copy changes nothing except your own understanding.
"""

import jax, jax.numpy as jnp
import numpy as np

FEATURE_DIM = 512
N_CLEAR = 4096
N_RAIN = 8192


def _cdist(x, y):
    # Euclidean distance matrix (matches torch.cdist p=2), matmul formulation.
    x2 = jnp.sum(x * x, axis=-1, keepdims=True)            # [N, 1]
    y2 = jnp.sum(y * y, axis=-1, keepdims=True).T          # [1, M]
    sq = x2 + y2 - 2.0 * (x @ y.T)
    return jnp.sqrt(jnp.maximum(sq, 0.0))


def setup_inputs(seed: int = 0) -> dict:
    key = jax.random.key(seed)
    k1, k2, k3, k4, k5, k6 = jax.random.split(key, 6)
    d = FEATURE_DIM
    clear_feature = jax.random.normal(k1, (N_CLEAR, d), dtype=jnp.float32)
    rain_feature = jax.random.normal(k2, (N_RAIN, d), dtype=jnp.float32)
    # attention_layer params: Linear(2d, d) -> ReLU -> Linear(d, 1) -> Sigmoid
    s1 = 1.0 / np.sqrt(2 * d)
    s2 = 1.0 / np.sqrt(d)
    W1 = jax.random.uniform(k3, (2 * d, d), dtype=jnp.float32, minval=-s1, maxval=s1)
    b1 = jax.random.uniform(k4, (d,), dtype=jnp.float32, minval=-s1, maxval=s1)
    W2 = jax.random.uniform(k5, (d, 1), dtype=jnp.float32, minval=-s2, maxval=s2)
    b2 = jax.random.uniform(k6, (1,), dtype=jnp.float32, minval=-s2, maxval=s2)
    return {"clear_feature": clear_feature, "rain_feature": rain_feature,
            "W1": W1, "b1": b1, "W2": W2, "b2": b2}


def reference(clear_feature, rain_feature, W1, b1, W2, b2):
    # align_features: shapes differ -> kNN (k=1) over Euclidean distances
    dist = _cdist(clear_feature, rain_feature)             # [N, M]
    _, idx = jax.lax.top_k(-dist, 1)                       # smallest distance
    idx = idx[:, 0]                                        # [N]
    aligned_rain = jnp.take(rain_feature, idx, axis=0)     # gather [N, d]
    combined = jnp.concatenate([clear_feature, aligned_rain], axis=-1)  # [N, 2d]
    h = jax.nn.relu(combined @ W1 + b1)
    attention_weights = jax.nn.sigmoid(h @ W2 + b2)        # [N, 1]
    fused = attention_weights * clear_feature + (1.0 - attention_weights) * aligned_rain
    return fused

if __name__ == "__main__":
    import jax
    _d = setup_inputs()
    print(jax.jit(kernel)(*tuple(_d.values())))

</pallas_src>

<mosaic_0001>
#map = affine_map<(d0, d1) -> (0, 0)>
#map1 = affine_map<(d0, d1) -> (0)>
module attributes {stable_mosaic.version = 14 : i64} {
  func.func @_gather(%arg0: i32, %arg1: i32, %arg2: memref<8192x512xf32, #tpu.memory_space<hbm>>, %arg3: memref<4096xi32, #tpu.memory_space<hbm>>, %arg4: memref<4096x512xf32, #tpu.memory_space<hbm>>, %arg5: memref<128xi32, #tpu.memory_space<vmem>>, %arg6: memref<128x512xf32, #tpu.memory_space<vmem>>, %arg7: memref<!tpu.dma_semaphore, #tpu.memory_space<semaphore_mem>>) attributes {dimension_semantics = [#tpu.dimension_semantics<core_parallel>, #tpu.dimension_semantics<subcore_parallel>], iteration_bounds = array<i64: 2, 16>, scalar_prefetch = 0 : i64, scratch_operands = 3 : i64, tpu.core_type = #tpu.core_type<sc_vector_subcore>, window_params = [{transform_indices = #map}, {transform_indices = #map1}, {transform_indices = #map}]} {
    %mul3A = arith.constant 2 : i32
    %mul3A_0 = arith.muli %arg1, %mul3A : i32
    %add3A = arith.addi %mul3A_0, %arg0 : i32
    %mul3A_1 = arith.constant 128 : i32
    %mul3A_2 = arith.muli %add3A, %mul3A_1 : i32
    "tpu.region"() ({
      %run_scoped3A = tpu.sem_alloc : memref<!tpu.dma_semaphore, #tpu.memory_space<semaphore_mem>>
      %dma_start3A_7 = tpu.memref_slice %arg3[%mul3A_2] : memref<4096xi32, #tpu.memory_space<hbm>> -> memref<128xi32, #tpu.memory_space<hbm>>
      %dma_start3A_8 = tpu.memref_slice %arg3[%mul3A_2] : memref<4096xi32, #tpu.memory_space<hbm>> -> memref<128xi32, #tpu.memory_space<hbm>>
      tpu.enqueue_dma source(%dma_start3A_8 : memref<128xi32, #tpu.memory_space<hbm>>) target(%arg5 : memref<128xi32, #tpu.memory_space<vmem>>) target_semaphore(%run_scoped3A : memref<!tpu.dma_semaphore, #tpu.memory_space<semaphore_mem>>)
      %dma_wait3A_9 = tpu.memref_slice %arg3[%mul3A_2] : memref<4096xi32, #tpu.memory_space<hbm>> -> memref<128xi32, #tpu.memory_space<hbm>>
      %dma_wait3A_10 = tpu.memref_slice %arg3[%mul3A_2] : memref<4096xi32, #tpu.memory_space<hbm>> -> memref<128xi32, #tpu.memory_space<hbm>>
      tpu.wait_dma2 semaphore(%run_scoped3A : memref<!tpu.dma_semaphore, #tpu.memory_space<semaphore_mem>>) src(%dma_wait3A_10 : memref<128xi32, #tpu.memory_space<hbm>>) dst(%arg5 : memref<128xi32, #tpu.memory_space<vmem>>)
      tpu.yield
    }) : () -> ()
    %dma_start3A = arith.constant 0 : i32
    %dma_start3A_3 = arith.constant 0 : i32
    %dma_start3A_4 = tpu.memref_slice %arg2[%dma_start3A, %dma_start3A_3] : memref<8192x512xf32, #tpu.memory_space<hbm>> -> memref<8192x512xf32, #tpu.memory_space<hbm>>
    tpu.enqueue_indirect_dma source(%dma_start3A_4 : memref<8192x512xf32, #tpu.memory_space<hbm>>) target(%arg6 : memref<128x512xf32, #tpu.memory_space<vmem>>) offsets(%arg5 : memref<128xi32, #tpu.memory_space<vmem>>) semaphore(%arg7 : memref<!tpu.dma_semaphore, #tpu.memory_space<semaphore_mem>>)
    %dma_wait3A = arith.constant 0 : i32
    %dma_wait3A_5 = arith.constant 0 : i32
    %dma_wait3A_6 = tpu.memref_slice %arg2[%dma_wait3A, %dma_wait3A_5] : memref<8192x512xf32, #tpu.memory_space<hbm>> -> memref<8192x512xf32, #tpu.memory_space<hbm>>
    tpu.wait_indirect_dma semaphore(%arg7 : memref<!tpu.dma_semaphore, #tpu.memory_space<semaphore_mem>>) src(%dma_wait3A_6 : memref<8192x512xf32, #tpu.memory_space<hbm>>) dst(%arg6 : memref<128x512xf32, #tpu.memory_space<vmem>>)
    "tpu.region"() ({
      %run_scoped3A = tpu.sem_alloc : memref<!tpu.dma_semaphore, #tpu.memory_space<semaphore_mem>>
      %dma_start3A_7 = arith.constant 0 : i32
      %dma_start3A_8 = tpu.memref_slice %arg4[%mul3A_2, %dma_start3A_7] : memref<4096x512xf32, #tpu.memory_space<hbm>> -> memref<128x512xf32, #tpu.memory_space<hbm>>
      %dma_start3A_9 = arith.constant 0 : i32
      %dma_start3A_10 = tpu.memref_slice %arg4[%mul3A_2, %dma_start3A_9] : memref<4096x512xf32, #tpu.memory_space<hbm>> -> memref<128x512xf32, #tpu.memory_space<hbm>>
      tpu.enqueue_dma source(%arg6 : memref<128x512xf32, #tpu.memory_space<vmem>>) target(%dma_start3A_10 : memref<128x512xf32, #tpu.memory_space<hbm>>) target_semaphore(%run_scoped3A : memref<!tpu.dma_semaphore, #tpu.memory_space<semaphore_mem>>)
      %dma_wait3A_11 = arith.constant 0 : i32
      %dma_wait3A_12 = tpu.memref_slice %arg4[%mul3A_2, %dma_wait3A_11] : memref<4096x512xf32, #tpu.memory_space<hbm>> -> memref<128x512xf32, #tpu.memory_space<hbm>>
      %dma_wait3A_13 = arith.constant 0 : i32
      %dma_wait3A_14 = tpu.memref_slice %arg4[%mul3A_2, %dma_wait3A_13] : memref<4096x512xf32, #tpu.memory_space<hbm>> -> memref<128x512xf32, #tpu.memory_space<hbm>>
      tpu.wait_dma2 semaphore(%run_scoped3A : memref<!tpu.dma_semaphore, #tpu.memory_space<semaphore_mem>>) src(%arg6 : memref<128x512xf32, #tpu.memory_space<vmem>>) dst(%dma_wait3A_14 : memref<128x512xf32, #tpu.memory_space<hbm>>)
      tpu.yield
    }) : () -> ()
    return
  }
}

module attributes {stable_mosaic.version = 14 : i64} {
  func.func @_argmin_body(%arg0: i32, %arg1: i32, %arg2: memref<2048x1xf32, #tpu.memory_space<vmem>>, %arg3: memref<1x2048xf32, #tpu.memory_space<vmem>>, %arg4: memref<2048x512xf32, #tpu.memory_space<vmem>>, %arg5: memref<2048x512xf32, #tpu.memory_space<vmem>>, %arg6: memref<2048x1xi32, #tpu.memory_space<vmem>>, %arg7: memref<2048x128xf32, #tpu.memory_space<vmem>>, %arg8: memref<2048x128xf32, #tpu.memory_space<vmem>>) attributes {dimension_semantics = [#tpu.dimension_semantics<parallel>, #tpu.dimension_semantics<arbitrary>], iteration_bounds = array<i64: 2, 4>, scalar_prefetch = 0 : i64, scratch_operands = 2 : i64, tpu.core_type = #tpu.core_type<tc>, window_params = [{transform_indices = @transform_0, window_bounds = array<i64: 2048, 1>}, {transform_indices = @transform_1, window_bounds = array<i64: 1, 2048>}, {transform_indices = @transform_2, window_bounds = array<i64: 2048, 512>}, {transform_indices = @transform_3, window_bounds = array<i64: 2048, 512>}, {transform_indices = @transform_4, window_bounds = array<i64: 2048, 1>}]} {
    %get3A = arith.constant 0 : index
    %get3A_0 = arith.constant 0 : index
    %get3A_1 = vector.load %arg4[%get3A, %get3A_0] : memref<2048x512xf32, #tpu.memory_space<vmem>>, vector<2048x512xf32>
    %mul3A = arith.constant 2.000000e+00 : f32
    %mul3A_2 = vector.broadcast %mul3A : f32 to vector<2048x512xf32>
    %mul3A_3 = arith.mulf %mul3A_2, %get3A_1 : vector<2048x512xf32>
    %get3A_4 = arith.constant 0 : index
    %get3A_5 = arith.constant 0 : index
    %get3A_6 = vector.load %arg5[%get3A_4, %get3A_5] : memref<2048x512xf32, #tpu.memory_space<vmem>>, vector<2048x512xf32>
    %dot_general3A = arith.constant dense<0.000000e+00> : vector<2048x2048xf32>
    %dot_general3A_7 = tpu.matmul %mul3A_3, %get3A_6, %dot_general3A {dimension_numbers = #tpu.dot_dimension_numbers<[1], [1], [0], [0], [0, 0, 1, 0], [], []>, transpose_lhs_hint = false} : vector<2048x512xf32>, vector<2048x512xf32>, vector<2048x2048xf32> -> vector<2048x2048xf32>
    %iota3A = tpu.iota {dimensions = array<i32: 1>} : vector<2048x128xi32>
    %convert_element_type3A = arith.sitofp %iota3A : vector<2048x128xi32> to vector<2048x128xf32>
    %get3A_8 = arith.constant 0 : index
    %get3A_9 = arith.constant 0 : index
    %get3A_10 = vector.load %arg2[%get3A_8, %get3A_9] : memref<2048x1xf32, #tpu.memory_space<vmem>>, vector<2048x1xf32>
    %eq3A = arith.constant 0 : i32
    %eq3A_11 = arith.cmpi eq, %arg1, %eq3A : i32
    %convert_element_type3A_12 = arith.extui %eq3A_11 : i1 to i32
    %cond3A = arith.constant 0 : i32
    %cond3A_13 = arith.cmpi ne, %convert_element_type3A_12, %cond3A : i32
    scf.if %cond3A_13 {
      %broadcast_in_dim3A = arith.constant 0x7F800000 : f32
      %broadcast_in_dim3A_313 = vector.broadcast %broadcast_in_dim3A : f32 to vector<2048x128xf32>
      %swap3A_314 = arith.constant 0 : index
      %swap3A_315 = arith.constant 0 : index
      %swap3A_316 = vector.load %arg7[%swap3A_314, %swap3A_315] : memref<2048x128xf32, #tpu.memory_space<vmem>>, vector<2048x128xf32>
      tpu.vector_store %arg7[%swap3A_314, %swap3A_315], %broadcast_in_dim3A_313 {strides = array<i32>} : memref<2048x128xf32, #tpu.memory_space<vmem>>, vector<2048x128xf32>,
      %broadcast_in_dim3A_317 = arith.constant 0.000000e+00 : f32
      %broadcast_in_dim3A_318 = vector.broadcast %broadcast_in_dim3A_317 : f32 to vector<2048x128xf32>
      %swap3A_319 = arith.constant 0 : index
      %swap3A_320 = arith.constant 0 : index
      %swap3A_321 = vector.load %arg8[%swap3A_319, %swap3A_320] : memref<2048x128xf32, #tpu.memory_space<vmem>>, vector<2048x128xf32>
      tpu.vector_store %arg8[%swap3A_319, %swap3A_320], %broadcast_in_dim3A_318 {strides = array<i32>} : memref<2048x128xf32, #tpu.memory_space<vmem>>, vector<2048x128xf32>,
    } else {
    }
    %get3A_14 = arith.constant 0 : index
    %get3A_15 = arith.constant 0 : index
    %get3A_16 = vector.load %arg7[%get3A_14, %get3A_15] : memref<2048x128xf32, #tpu.memory_space<vmem>>, vector<2048x128xf32>
    %get3A_17 = arith.constant 0 : index
    %get3A_18 = arith.constant 0 : index
    %get3A_19 = vector.load %arg8[%get3A_17, %get3A_18] : memref<2048x128xf32, #tpu.memory_space<vmem>>, vector<2048x128xf32>
    %get3A_20 = arith.constant 0 : index
    %get3A_21 = arith.constant 0 : index
    %get3A_22 = vector.load %arg3[%get3A_20, %get3A_21] : memref<1x2048xf32, #tpu.memory_space<vmem>>, vector<1x128xf32>
    %add3A = vector.broadcast %get3A_10 : vector<2048x1xf32> to vector<2048x128xf32>
    %add3A_23 = vector.broadcast %get3A_22 : vector<1x128xf32> to vector<2048x128xf32>
    %add3A_24 = arith.addf %add3A, %add3A_23 : vector<2048x128xf32>
    %slice3A = vector.extract_strided_slice %dot_general3A_7 {offsets = [0, 0], sizes = [2048, 128], strides = [1, 1]} : vector<2048x2048xf32> to vector<2048x128xf32>
    %sub3A = arith.subf %add3A_24, %slice3A : vector<2048x128xf32>
    %mul3A_25 = arith.constant 2048 : i32
    %mul3A_26 = arith.muli %arg1, %mul3A_25 : i32
    %add3A_27 = arith.constant 0 : i32
    %add3A_28 = arith.addi %mul3A_26, %add3A_27 : i32
    %convert_element_type3A_29 = arith.sitofp %add3A_28 : i32 to f32
    %add3A_30 = vector.broadcast %convert_element_type3A_29 : f32 to vector<2048x128xf32>
    %add3A_31 = arith.addf %convert_element_type3A, %add3A_30 : vector<2048x128xf32>
    %lt3A = arith.cmpf olt, %sub3A, %get3A_16 : vector<2048x128xf32>
    %select_n3A = arith.select %lt3A, %add3A_31, %get3A_19 : vector<2048x128xi1>, vector<2048x128xf32>
    %select_n3A_32 = arith.select %lt3A, %sub3A, %get3A_16 : vector<2048x128xi1>, vector<2048x128xf32>
    %get3A_33 = arith.constant 0 : index
    %get3A_34 = arith.constant 128 : index
    %get3A_35 = vector.load %arg3[%get3A_33, %get3A_34] : memref<1x2048xf32, #tpu.memory_space<vmem>>, vector<1x128xf32>
    %add3A_36 = vector.broadcast %get3A_10 : vector<2048x1xf32> to vector<2048x128xf32>
    %add3A_37 = vector.broadcast %get3A_35 : vector<1x128xf32> to vector<2048x128xf32>
    %add3A_38 = arith.addf %add3A_36, %add3A_37 : vector<2048x128xf32>
    %slice3A_39 = vector.extract_strided_slice %dot_general3A_7 {offsets = [0, 128], sizes = [2048, 128], strides = [1, 1]} : vector<2048x2048xf32> to vector<2048x128xf32>
    %sub3A_40 = arith.subf %add3A_38, %slice3A_39 : vector<2048x128xf32>
    %mul3A_41 = arith.constant 2048 : i32
    %mul3A_42 = arith.muli %arg1, %mul3A_41 : i32
    %add3A_43 = arith.constant 128 : i32
    %add3A_44 = arith.addi %mul3A_42, %add3A_43 : i32
    %convert_element_type3A_45 = arith.sitofp %add3A_44 : i32 to f32
    %add3A_46 = vector.broadcast %convert_element_type3A_45 : f32 to vector<2048x128xf32>
    %add3A_47 = arith.addf %convert_element_type3A, %add3A_46 : vector<2048x128xf32>
    %lt3A_48 = arith.cmpf olt, %sub3A_40, %select_n3A_32 : vector<2048x128xf32>
    %select_n3A_49 = arith.select %lt3A_48, %add3A_47, %select_n3A : vector<2048x128xi1>, vector<2048x128xf32>
    %select_n3A_50 = arith.select %lt3A_48, %sub3A_40, %select_n3A_32 : vector<2048x128xi1>, vector<2048x128xf32>
    %get3A_51 = arith.constant 0 : index
    %get3A_52 = arith.constant 256 : index
    %get3A_53 = vector.load %arg3[%get3A_51, %get3A_52] : memref<1x2048xf32, #tpu.memory_space<vmem>>, vector<1x128xf32>
    %add3A_54 = vector.broadcast %get3A_10 : vector<2048x1xf32> to vector<2048x128xf32>
    %add3A_55 = vector.broadcast %get3A_53 : vector<1x128xf32> to vector<2048x128xf32>
    %add3A_56 = arith.addf %add3A_54, %add3A_55 : vector<2048x128xf32>
    %slice3A_57 = vector.extract_strided_slice %dot_general3A_7 {offsets = [0, 256], sizes = [2048, 128], strides = [1, 1]} : vector<2048x2048xf32> to vector<2048x128xf32>
    %sub3A_58 = arith.subf %add3A_56, %slice3A_57 : vector<2048x128xf32>
    %mul3A_59 = arith.constant 2048 : i32
    %mul3A_60 = arith.muli %arg1, %mul3A_59 : i32
    %add3A_61 = arith.constant 256 : i32
    %add3A_62 = arith.addi %mul3A_60, %add3A_61 : i32
    %convert_element_type3A_63 = arith.sitofp %add3A_62 : i32 to f32
    %add3A_64 = vector.broadcast %convert_element_type3A_63 : f32 to vector<2048x128xf32>
    %add3A_65 = arith.addf %convert_element_type3A, %add3A_64 : vector<2048x128xf32>
    %lt3A_66 = arith.cmpf olt, %sub3A_58, %select_n3A_50 : vector<2048x128xf32>
    %select_n3A_67 = arith.select %lt3A_66, %add3A_65, %select_n3A_49 : vector<2048x128xi1>, vector<2048x128xf32>
    %select_n3A_68 = arith.select %lt3A_66, %sub3A_58, %select_n3A_50 : vector<2048x128xi1>, vector<2048x128xf32>
    %get3A_69 = arith.constant 0 : index
    %get3A_70 = arith.constant 384 : index
    %get3A_71 = vector.load %arg3[%get3A_69, %get3A_70] : memref<1x2048xf32, #tpu.memory_space<vmem>>, vector<1x128xf32>
    %add3A_72 = vector.broadcast %get3A_10 : vector<2048x1xf32> to vector<2048x128xf32>
    %add3A_73 = vector.broadcast %get3A_71 : vector<1x128xf32> to vector<2048x128xf32>
    %add3A_74 = arith.addf %add3A_72, %add3A_73 : vector<2048x128xf32>
    %slice3A_75 = vector.extract_strided_slice %dot_general3A_7 {offsets = [0, 384], sizes = [2048, 128], strides = [1, 1]} : vector<2048x2048xf32> to vector<2048x128xf32>
    %sub3A_76 = arith.subf %add3A_74, %slice3A_75 : vector<2048x128xf32>
    %mul3A_77 = arith.constant 2048 : i32
    %mul3A_78 = arith.muli %arg1, %mul3A_77 : i32
    %add3A_79 = arith.constant 384 : i32
    %add3A_80 = arith.addi %mul3A_78, %add3A_79 : i32
    %convert_element_type3A_81 = arith.sitofp %add3A_80 : i32 to f32
    %add3A_82 = vector.broadcast %convert_element_type3A_81 : f32 to vector<2048x128xf32>
    %add3A_83 = arith.addf %convert_element_type3A, %add3A_82 : vector<2048x128xf32>
    %lt3A_84 = arith.cmpf olt, %sub3A_76, %select_n3A_68 : vector<2048x128xf32>
    %select_n3A_85 = arith.select %lt3A_84, %add3A_83, %select_n3A_67 : vector<2048x128xi1>, vector<2048x128xf32>
    %select_n3A_86 = arith.select %lt3A_84, %sub3A_76, %select_n3A_68 : vector<2048x128xi1>, vector<2048x128xf32>
    %get3A_87 = arith.constant 0 : index
    %get3A_88 = arith.constant 512 : index
    %get3A_89 = vector.load %arg3[%get3A_87, %get3A_88] : memref<1x2048xf32, #tpu.memory_space<vmem>>, vector<1x128xf32>
    %add3A_90 = vector.broadcast %get3A_10 : vector<2048x1xf32> to vector<2048x128xf32>
    %add3A_91 = vector.broadcast %get3A_89 : vector<1x128xf32> to vector<2048x128xf32>
    %add3A_92 = arith.addf %add3A_90, %add3A_91 : vector<2048x128xf32>
    %slice3A_93 = vector.extract_strided_slice %dot_general3A_7 {offsets = [0, 512], sizes = [2048, 128], strides = [1, 1]} : vector<2048x2048xf32> to vector<2048x128xf32>
    %sub3A_94 = arith.subf %add3A_92, %slice3A_93 : vector<2048x128xf32>
    %mul3A_95 = arith.constant 2048 : i32
    %mul3A_96 = arith.muli %arg1, %mul3A_95 : i32
    %add3A_97 = arith.constant 512 : i32
    %add3A_98 = arith.addi %mul3A_96, %add3A_97 : i32
    %convert_element_type3A_99 = arith.sitofp %add3A_98 : i32 to f32
    %add3A_100 = vector.broadcast %convert_element_type3A_99 : f32 to vector<2048x128xf32>
    %add3A_101 = arith.addf %convert_element_type3A, %add3A_100 : vector<2048x128xf32>
    %lt3A_102 = arith.cmpf olt, %sub3A_94, %select_n3A_86 : vector<2048x128xf32>
    %select_n3A_103 = arith.select %lt3A_102, %add3A_101, %select_n3A_85 : vector<2048x128xi1>, vector<2048x128xf32>
    %select_n3A_104 = arith.select %lt3A_102, %sub3A_94, %select_n3A_86 : vector<2048x128xi1>, vector<2048x128xf32>
    %get3A_105 = arith.constant 0 : index
    %get3A_106 = arith.constant 640 : index
    %get3A_107 = vector.load %arg3[%get3A_105, %get3A_106] : memref<1x2048xf32, #tpu.memory_space<vmem>>, vector<1x128xf32>
    %add3A_108 = vector.broadcast %get3A_10 : vector<2048x1xf32> to vector<2048x128xf32>
    %add3A_109 = vector.broadcast %get3A_107 : vector<1x128xf32> to vector<2048x128xf32>
    %add3A_110 = arith.addf %add3A_108, %add3A_109 : vector<2048x128xf32>
    %slice3A_111 = vector.extract_strided_slice %dot_general3A_7 {offsets = [0, 640], sizes = [2048, 128], strides = [1, 1]} : vector<2048x2048xf32> to vector<2048x128xf32>
    %sub3A_112 = arith.subf %add3A_110, %slice3A_111 : vector<2048x128xf32>
    %mul3A_113 = arith.constant 2048 : i32
    %mul3A_114 = arith.muli %arg1, %mul3A_113 : i32
    %add3A_115 = arith.constant 640 : i32
    %add3A_116 = arith.addi %mul3A_114, %add3A_115 : i32
    %convert_element_type3A_117 = arith.sitofp %add3A_116 : i32 to f32
    %add3A_118 = vector.broadcast %convert_element_type3A_117 : f32 to vector<2048x128xf32>
    %add3A_119 = arith.addf %convert_element_type3A, %add3A_118 : vector<2048x128xf32>
    %lt3A_120 = arith.cmpf olt, %sub3A_112, %select_n3A_104 : vector<2048x128xf32>
    %select_n3A_121 = arith.select %lt3A_120, %add3A_119, %select_n3A_103 : vector<2048x128xi1>, vector<2048x128xf32>
    %select_n3A_122 = arith.select %lt3A_120, %sub3A_112, %select_n3A_104 : vector<2048x128xi1>, vector<2048x128xf32>
    %get3A_123 = arith.constant 0 : index
    %get3A_124 = arith.constant 768 : index
    %get3A_125 = vector.load %arg3[%get3A_123, %get3A_124] : memref<1x2048xf32, #tpu.memory_space<vmem>>, vector<1x128xf32>
    %add3A_126 = vector.broadcast %get3A_10 : vector<2048x1xf32> to vector<2048x128xf32>
    %add3A_127 = vector.broadcast %get3A_125 : vector<1x128xf32> to vector<2048x128xf32>
    %add3A_128 = arith.addf %add3A_126, %add3A_127 : vector<2048x128xf32>
    %slice3A_129 = vector.extract_strided_slice %dot_general3A_7 {offsets = [0, 768], sizes = [2048, 128], strides = [1, 1]} : vector<2048x2048xf32> to vector<2048x128xf32>
    %sub3A_130 = arith.subf %add3A_128, %slice3A_129 : vector<2048x128xf32>
    %mul3A_131 = arith.constant 2048 : i32
    %mul3A_132 = arith.muli %arg1, %mul3A_131 : i32
    %add3A_133 = arith.constant 768 : i32
    %add3A_134 = arith.addi %mul3A_132, %add3A_133 : i32
    %convert_element_type3A_135 = arith.sitofp %add3A_134 : i32 to f32
    %add3A_136 = vector.broadcast %convert_element_type3A_135 : f32 to vector<2048x128xf32>
    %add3A_137 = arith.addf %convert_element_type3A, %add3A_136 : vector<2048x128xf32>
    %lt3A_138 = arith.cmpf olt, %sub3A_130, %select_n3A_122 : vector<2048x128xf32>
    %select_n3A_139 = arith.select %lt3A_138, %add3A_137, %select_n3A_121 : vector<2048x128xi1>, vector<2048x128xf32>
    %select_n3A_140 = arith.select %lt3A_138, %sub3A_130, %select_n3A_122 : vector<2048x128xi1>, vector<2048x128xf32>
    %get3A_141 = arith.constant 0 : index
    %get3A_142 = arith.constant 896 : index
    %get3A_143 = vector.load %arg3[%get3A_141, %get3A_142] : memref<1x2048xf32, #tpu.memory_space<vmem>>, vector<1x128xf32>
    %add3A_144 = vector.broadcast %get3A_10 : vector<2048x1xf32> to vector<2048x128xf32>
    %add3A_145 = vector.broadcast %get3A_143 : vector<1x128xf32> to vector<2048x128xf32>
    %add3A_146 = arith.addf %add3A_144, %add3A_145 : vector<2048x128xf32>
    %slice3A_147 = vector.extract_strided_slice %dot_general3A_7 {offsets = [0, 896], sizes = [2048, 128], strides = [1, 1]} : vector<2048x2048xf32> to vector<2048x128xf32>
    %sub3A_148 = arith.subf %add3A_146, %slice3A_147 : vector<2048x128xf32>
    %mul3A_149 = arith.constant 2048 : i32
    %mul3A_150 = arith.muli %arg1, %mul3A_149 : i32
    %add3A_151 = arith.constant 896 : i32
    %add3A_152 = arith.addi %mul3A_150, %add3A_151 : i32
    %convert_element_type3A_153 = arith.sitofp %add3A_152 : i32 to f32
    %add3A_154 = vector.broadcast %convert_element_type3A_153 : f32 to vector<2048x128xf32>
    %add3A_155 = arith.addf %convert_element_type3A, %add3A_154 : vector<2048x128xf32>
    %lt3A_156 = arith.cmpf olt, %sub3A_148, %select_n3A_140 : vector<2048x128xf32>
    %select_n3A_157 = arith.select %lt3A_156, %add3A_155, %select_n3A_139 : vector<2048x128xi1>, vector<2048x128xf32>
    %select_n3A_158 = arith.select %lt3A_156, %sub3A_148, %select_n3A_140 : vector<2048x128xi1>, vector<2048x128xf32>
    %get3A_159 = arith.constant 0 : index
    %get3A_160 = arith.constant 1024 : index
    %get3A_161 = vector.load %arg3[%get3A_159, %get3A_160] : memref<1x2048xf32, #tpu.memory_space<vmem>>, vector<1x128xf32>
    %add3A_162 = vector.broadcast %get3A_10 : vector<2048x1xf32> to vector<2048x128xf32>
    %add3A_163 = vector.broadcast %get3A_161 : vector<1x128xf32> to vector<2048x128xf32>
    %add3A_164 = arith.addf %add3A_162, %add3A_163 : vector<2048x128xf32>
    %slice3A_165 = vector.extract_strided_slice %dot_general3A_7 {offsets = [0, 1024], sizes = [2048, 128], strides = [1, 1]} : vector<2048x2048xf32> to vector<2048x128xf32>
    %sub3A_166 = arith.subf %add3A_164, %slice3A_165 : vector<2048x128xf32>
    %mul3A_167 = arith.constant 2048 : i32
    %mul3A_168 = arith.muli %arg1, %mul3A_167 : i32
    %add3A_169 = arith.constant 1024 : i32
    %add3A_170 = arith.addi %mul3A_168, %add3A_169 : i32
    %convert_element_type3A_171 = arith.sitofp %add3A_170 : i32 to f32
    %add3A_172 = vector.broadcast %convert_element_type3A_171 : f32 to vector<2048x128xf32>
    %add3A_173 = arith.addf %convert_element_type3A, %add3A_172 : vector<2048x128xf32>
    %lt3A_174 = arith.cmpf olt, %sub3A_166, %select_n3A_158 : vector<2048x128xf32>
    %select_n3A_175 = arith.select %lt3A_174, %add3A_173, %select_n3A_157 : vector<2048x128xi1>, vector<2048x128xf32>
    %select_n3A_176 = arith.select %lt3A_174, %sub3A_166, %select_n3A_158 : vector<2048x128xi1>, vector<2048x128xf32>
    %get3A_177 = arith.constant 0 : index
    %get3A_178 = arith.constant 1152 : index
    %get3A_179 = vector.load %arg3[%get3A_177, %get3A_178] : memref<1x2048xf32, #tpu.memory_space<vmem>>, vector<1x128xf32>
    %add3A_180 = vector.broadcast %get3A_10 : vector<2048x1xf32> to vector<2048x128xf32>
    %add3A_181 = vector.broadcast %get3A_179 : vector<1x128xf32> to vector<2048x128xf32>
    %add3A_182 = arith.addf %add3A_180, %add3A_181 : vector<2048x128xf32>
    %slice3A_183 = vector.extract_strided_slice %dot_general3A_7 {offsets = [0, 1152], sizes = [2048, 128], strides = [1, 1]} : vector<2048x2048xf32> to vector<2048x128xf32>
    %sub3A_184 = arith.subf %add3A_182, %slice3A_183 : vector<2048x128xf32>
    %mul3A_185 = arith.constant 2048 : i32
    %mul3A_186 = arith.muli %arg1, %mul3A_185 : i32
    %add3A_187 = arith.constant 1152 : i32
    %add3A_188 = arith.addi %mul3A_186, %add3A_187 : i32
    %convert_element_type3A_189 = arith.sitofp %add3A_188 : i32 to f32
    %add3A_190 = vector.broadcast %convert_element_type3A_189 : f32 to vector<2048x128xf32>
    %add3A_191 = arith.addf %convert_element_type3A, %add3A_190 : vector<2048x128xf32>
    %lt3A_192 = arith.cmpf olt, %sub3A_184, %select_n3A_176 : vector<2048x128xf32>
    %select_n3A_193 = arith.select %lt3A_192, %add3A_191, %select_n3A_175 : vector<2048x128xi1>, vector<2048x128xf32>
    %select_n3A_194 = arith.select %lt3A_192, %sub3A_184, %select_n3A_176 : vector<2048x128xi1>, vector<2048x128xf32>
    %get3A_195 = arith.constant 0 : index
    %get3A_196 = arith.constant 1280 : index
    %get3A_197 = vector.load %arg3[%get3A_195, %get3A_196] : memref<1x2048xf32, #tpu.memory_space<vmem>>, vector<1x128xf32>
    %add3A_198 = vector.broadcast %get3A_10 : vector<2048x1xf32> to vector<2048x128xf32>
    %add3A_199 = vector.broadcast %get3A_197 : vector<1x128xf32> to vector<2048x128xf32>
    %add3A_200 = arith.addf %add3A_198, %add3A_199 : vector<2048x128xf32>
    %slice3A_201 = vector.extract_strided_slice %dot_general3A_7 {offsets = [0, 1280], sizes = [2048, 128], strides = [1, 1]} : vector<2048x2048xf32> to vector<2048x128xf32>
    %sub3A_202 = arith.subf %add3A_200, %slice3A_201 : vector<2048x128xf32>
    %mul3A_203 = arith.constant 2048 : i32
    %mul3A_204 = arith.muli %arg1, %mul3A_203 : i32
    %add3A_205 = arith.constant 1280 : i32
    %add3A_206 = arith.addi %mul3A_204, %add3A_205 : i32
    %convert_element_type3A_207 = arith.sitofp %add3A_206 : i32 to f32
    %add3A_208 = vector.broadcast %convert_element_type3A_207 : f32 to vector<2048x128xf32>
    %add3A_209 = arith.addf %convert_element_type3A, %add3A_208 : vector<2048x128xf32>
    %lt3A_210 = arith.cmpf olt, %sub3A_202, %select_n3A_194 : vector<2048x128xf32>
    %select_n3A_211 = arith.select %lt3A_210, %add3A_209, %select_n3A_193 : vector<2048x128xi1>, vector<2048x128xf32>
    %select_n3A_212 = arith.select %lt3A_210, %sub3A_202, %select_n3A_194 : vector<2048x128xi1>, vector<2048x128xf32>
    %get3A_213 = arith.constant 0 : index
    %get3A_214 = arith.constant 1408 : index
    %get3A_215 = vector.load %arg3[%get3A_213, %get3A_214] : memref<1x2048xf32, #tpu.memory_space<vmem>>, vector<1x128xf32>
    %add3A_216 = vector.broadcast %get3A_10 : vector<2048x1xf32> to vector<2048x128xf32>
    %add3A_217 = vector.broadcast %get3A_215 : vector<1x128xf32> to vector<2048x128xf32>
    %add3A_218 = arith.addf %add3A_216, %add3A_217 : vector<2048x128xf32>
    %slice3A_219 = vector.extract_strided_slice %dot_general3A_7 {offsets = [0, 1408], sizes = [2048, 128], strides = [1, 1]} : vector<2048x2048xf32> to vector<2048x128xf32>
    %sub3A_220 = arith.subf %add3A_218, %slice3A_219 : vector<2048x128xf32>
    %mul3A_221 = arith.constant 2048 : i32
    %mul3A_222 = arith.muli %arg1, %mul3A_221 : i32
    %add3A_223 = arith.constant 1408 : i32
    %add3A_224 = arith.addi %mul3A_222, %add3A_223 : i32
    %convert_element_type3A_225 = arith.sitofp %add3A_224 : i32 to f32
    %add3A_226 = vector.broadcast %convert_element_type3A_225 : f32 to vector<2048x128xf32>
    %add3A_227 = arith.addf %convert_element_type3A, %add3A_226 : vector<2048x128xf32>
    %lt3A_228 = arith.cmpf olt, %sub3A_220, %select_n3A_212 : vector<2048x128xf32>
    %select_n3A_229 = arith.select %lt3A_228, %add3A_227, %select_n3A_211 : vector<2048x128xi1>, vector<2048x128xf32>
    %select_n3A_230 = arith.select %lt3A_228, %sub3A_220, %select_n3A_212 : vector<2048x128xi1>, vector<2048x128xf32>
    %get3A_231 = arith.constant 0 : index
    %get3A_232 = arith.constant 1536 : index
    %get3A_233 = vector.load %arg3[%get3A_231, %get3A_232] : memref<1x2048xf32, #tpu.memory_space<vmem>>, vector<1x128xf32>
    %add3A_234 = vector.broadcast %get3A_10 : vector<2048x1xf32> to vector<2048x128xf32>
    %add3A_235 = vector.broadcast %get3A_233 : vector<1x128xf32> to vector<2048x128xf32>
    %add3A_236 = arith.addf %add3A_234, %add3A_235 : vector<2048x128xf32>
    %slice3A_237 = vector.extract_strided_slice %dot_general3A_7 {offsets = [0, 1536], sizes = [2048, 128], strides = [1, 1]} : vector<2048x2048xf32> to vector<2048x128xf32>
    %sub3A_238 = arith.subf %add3A_236, %slice3A_237 : vector<2048x128xf32>
    %mul3A_239 = arith.constant 2048 : i32
    %mul3A_240 = arith.muli %arg1, %mul3A_239 : i32
    %add3A_241 = arith.constant 1536 : i32
    %add3A_242 = arith.addi %mul3A_240, %add3A_241 : i32
    %convert_element_type3A_243 = arith.sitofp %add3A_242 : i32 to f32
    %add3A_244 = vector.broadcast %convert_element_type3A_243 : f32 to vector<2048x128xf32>
    %add3A_245 = arith.addf %convert_element_type3A, %add3A_244 : vector<2048x128xf32>
    %lt3A_246 = arith.cmpf olt, %sub3A_238, %select_n3A_230 : vector<2048x128xf32>
    %select_n3A_247 = arith.select %lt3A_246, %add3A_245, %select_n3A_229 : vector<2048x128xi1>, vector<2048x128xf32>
    %select_n3A_248 = arith.select %lt3A_246, %sub3A_238, %select_n3A_230 : vector<2048x128xi1>, vector<2048x128xf32>
    %get3A_249 = arith.constant 0 : index
    %get3A_250 = arith.constant 1664 : index
    %get3A_251 = vector.load %arg3[%get3A_249, %get3A_250] : memref<1x2048xf32, #tpu.memory_space<vmem>>, vector<1x128xf32>
    %add3A_252 = vector.broadcast %get3A_10 : vector<2048x1xf32> to vector<2048x128xf32>
    %add3A_253 = vector.broadcast %get3A_251 : vector<1x128xf32> to vector<2048x128xf32>
    %add3A_254 = arith.addf %add3A_252, %add3A_253 : vector<2048x128xf32>
    %slice3A_255 = vector.extract_strided_slice %dot_general3A_7 {offsets = [0, 1664], sizes = [2048, 128], strides = [1, 1]} : vector<2048x2048xf32> to vector<2048x128xf32>
    %sub3A_256 = arith.subf %add3A_254, %slice3A_255 : vector<2048x128xf32>
    %mul3A_257 = arith.constant 2048 : i32
    %mul3A_258 = arith.muli %arg1, %mul3A_257 : i32
    %add3A_259 = arith.constant 1664 : i32
    %add3A_260 = arith.addi %mul3A_258, %add3A_259 : i32
    %convert_element_type3A_261 = arith.sitofp %add3A_260 : i32 to f32
    %add3A_262 = vector.broadcast %convert_element_type3A_261 : f32 to vector<2048x128xf32>
    %add3A_263 = arith.addf %convert_element_type3A, %add3A_262 : vector<2048x128xf32>
    %lt3A_264 = arith.cmpf olt, %sub3A_256, %select_n3A_248 : vector<2048x128xf32>
    %select_n3A_265 = arith.select %lt3A_264, %add3A_263, %select_n3A_247 : vector<2048x128xi1>, vector<2048x128xf32>
    %select_n3A_266 = arith.select %lt3A_264, %sub3A_256, %select_n3A_248 : vector<2048x128xi1>, vector<2048x128xf32>
    %get3A_267 = arith.constant 0 : index
    %get3A_268 = arith.constant 1792 : index
    %get3A_269 = vector.load %arg3[%get3A_267, %get3A_268] : memref<1x2048xf32, #tpu.memory_space<vmem>>, vector<1x128xf32>
    %add3A_270 = vector.broadcast %get3A_10 : vector<2048x1xf32> to vector<2048x128xf32>
    %add3A_271 = vector.broadcast %get3A_269 : vector<1x128xf32> to vector<2048x128xf32>
    %add3A_272 = arith.addf %add3A_270, %add3A_271 : vector<2048x128xf32>
    %slice3A_273 = vector.extract_strided_slice %dot_general3A_7 {offsets = [0, 1792], sizes = [2048, 128], strides = [1, 1]} : vector<2048x2048xf32> to vector<2048x128xf32>
    %sub3A_274 = arith.subf %add3A_272, %slice3A_273 : vector<2048x128xf32>
    %mul3A_275 = arith.constant 2048 : i32
    %mul3A_276 = arith.muli %arg1, %mul3A_275 : i32
    %add3A_277 = arith.constant 1792 : i32
    %add3A_278 = arith.addi %mul3A_276, %add3A_277 : i32
    %convert_element_type3A_279 = arith.sitofp %add3A_278 : i32 to f32
    %add3A_280 = vector.broadcast %convert_element_type3A_279 : f32 to vector<2048x128xf32>
    %add3A_281 = arith.addf %convert_element_type3A, %add3A_280 : vector<2048x128xf32>
    %lt3A_282 = arith.cmpf olt, %sub3A_274, %select_n3A_266 : vector<2048x128xf32>
    %select_n3A_283 = arith.select %lt3A_282, %add3A_281, %select_n3A_265 : vector<2048x128xi1>, vector<2048x128xf32>
    %select_n3A_284 = arith.select %lt3A_282, %sub3A_274, %select_n3A_266 : vector<2048x128xi1>, vector<2048x128xf32>
    %get3A_285 = arith.constant 0 : index
    %get3A_286 = arith.constant 1920 : index
    %get3A_287 = vector.load %arg3[%get3A_285, %get3A_286] : memref<1x2048xf32, #tpu.memory_space<vmem>>, vector<1x128xf32>
    %add3A_288 = vector.broadcast %get3A_10 : vector<2048x1xf32> to vector<2048x128xf32>
    %add3A_289 = vector.broadcast %get3A_287 : vector<1x128xf32> to vector<2048x128xf32>
    %add3A_290 = arith.addf %add3A_288, %add3A_289 : vector<2048x128xf32>
    %slice3A_291 = vector.extract_strided_slice %dot_general3A_7 {offsets = [0, 1920], sizes = [2048, 128], strides = [1, 1]} : vector<2048x2048xf32> to vector<2048x128xf32>
    %sub3A_292 = arith.subf %add3A_290, %slice3A_291 : vector<2048x128xf32>
    %mul3A_293 = arith.constant 2048 : i32
    %mul3A_294 = arith.muli %arg1, %mul3A_293 : i32
    %add3A_295 = arith.constant 1920 : i32
    %add3A_296 = arith.addi %mul3A_294, %add3A_295 : i32
    %convert_element_type3A_297 = arith.sitofp %add3A_296 : i32 to f32
    %add3A_298 = vector.broadcast %convert_element_type3A_297 : f32 to vector<2048x128xf32>
    %add3A_299 = arith.addf %convert_element_type3A, %add3A_298 : vector<2048x128xf32>
    %lt3A_300 = arith.cmpf olt, %sub3A_292, %select_n3A_284 : vector<2048x128xf32>
    %select_n3A_301 = arith.select %lt3A_300, %add3A_299, %select_n3A_283 : vector<2048x128xi1>, vector<2048x128xf32>
    %select_n3A_302 = arith.select %lt3A_300, %sub3A_292, %select_n3A_284 : vector<2048x128xi1>, vector<2048x128xf32>
    %swap3A = arith.constant 0 : index
    %swap3A_303 = arith.constant 0 : index
    %swap3A_304 = vector.load %arg7[%swap3A, %swap3A_303] : memref<2048x128xf32, #tpu.memory_space<vmem>>, vector<2048x128xf32>
    tpu.vector_store %arg7[%swap3A, %swap3A_303], %select_n3A_302 {strides = array<i32>} : memref<2048x128xf32, #tpu.memory_space<vmem>>, vector<2048x128xf32>,
    %swap3A_305 = arith.constant 0 : index
    %swap3A_306 = arith.constant 0 : index
    %swap3A_307 = vector.load %arg8[%swap3A_305, %swap3A_306] : memref<2048x128xf32, #tpu.memory_space<vmem>>, vector<2048x128xf32>
    tpu.vector_store %arg8[%swap3A_305, %swap3A_306], %select_n3A_301 {strides = array<i32>} : memref<2048x128xf32, #tpu.memory_space<vmem>>, vector<2048x128xf32>,
    %eq3A_308 = arith.constant 3 : i32
    %eq3A_309 = arith.cmpi eq, %arg1, %eq3A_308 : i32
    %convert_element_type3A_310 = arith.extui %eq3A_309 : i1 to i32
    %cond3A_311 = arith.constant 0 : i32
    %cond3A_312 = arith.cmpi ne, %convert_element_type3A_310, %cond3A_311 : i32
    scf.if %cond3A_312 {
      %max3A = arith.constant 0.000000e+00 : f32
      %max3A_313 = vector.broadcast %max3A : f32 to vector<2048x128xf32>
      %max3A_314 = arith.maximumf %select_n3A_302, %max3A_313 : vector<2048x128xf32>
      %sqrt3A = math.sqrt %max3A_314 : vector<2048x128xf32>
      %reduce_min3A = arith.constant dense<0x7F800000> : vector<2048xf32>
      %reduce_min3A_315 = vector.multi_reduction <minimumf>, %sqrt3A, %reduce_min3A [1] : vector<2048x128xf32> to vector<2048xf32>
      %broadcast_in_dim3A = vector.shape_cast %reduce_min3A_315 : vector<2048xf32> to vector<2048x1xf32>
      %eq3A_316 = vector.broadcast %broadcast_in_dim3A : vector<2048x1xf32> to vector<2048x128xf32>
      %eq3A_317 = arith.cmpf oeq, %sqrt3A, %eq3A_316 : vector<2048x128xf32>
      %jit3A = arith.constant 8.192000e+03 : f32
      %broadcast_in_dim3A_318 = vector.broadcast %jit3A : f32 to vector<2048x128xf32>
      %select_n3A_319 = arith.select %eq3A_317, %select_n3A_301, %broadcast_in_dim3A_318 : vector<2048x128xi1>, vector<2048x128xf32>
      %reduce_min3A_320 = arith.constant dense<0x7F800000> : vector<2048xf32>
      %reduce_min3A_321 = vector.multi_reduction <minimumf>, %select_n3A_319, %reduce_min3A_320 [1] : vector<2048x128xf32> to vector<2048xf32>
      %broadcast_in_dim3A_322 = vector.shape_cast %reduce_min3A_321 : vector<2048xf32> to vector<2048x1xf32>
      %convert_element_type3A_323 = arith.fptosi %broadcast_in_dim3A_322 : vector<2048x1xf32> to vector<2048x1xi32>
      %swap3A_324 = arith.constant 0 : index
      %swap3A_325 = arith.constant 0 : index
      %swap3A_326 = vector.load %arg6[%swap3A_324, %swap3A_325] : memref<2048x1xi32, #tpu.memory_space<vmem>>, vector<2048x1xi32>
      tpu.vector_store %arg6[%swap3A_324, %swap3A_325], %convert_element_type3A_323 {strides = array<i32>} : memref<2048x1xi32, #tpu.memory_space<vmem>>, vector<2048x1xi32>,
    } else {
    }
    return
  }
  func.func @transform_0(%arg0: i32, %arg1: i32) -> (i32, i32) {
    %c0_i32 = arith.constant 0 : i32
    %c0_i32_0 = arith.constant 0 : i32
    return %arg0, %c0_i32 : i32, i32
  }
  func.func @transform_1(%arg0: i32, %arg1: i32) -> (i32, i32) {
    %c0_i32 = arith.constant 0 : i32
    %c0_i32_0 = arith.constant 0 : i32
    return %c0_i32, %arg1 : i32, i32
  }
  func.func @transform_2(%arg0: i32, %arg1: i32) -> (i32, i32) {
    %c0_i32 = arith.constant 0 : i32
    %c0_i32_0 = arith.constant 0 : i32
    return %arg0, %c0_i32 : i32, i32
  }
  func.func @transform_3(%arg0: i32, %arg1: i32) -> (i32, i32) {
    %c0_i32 = arith.constant 0 : i32
    %c0_i32_0 = arith.constant 0 : i32
    return %arg1, %c0_i32 : i32, i32
  }
  func.func @transform_4(%arg0: i32, %arg1: i32) -> (i32, i32) {
    %c0_i32 = arith.constant 0 : i32
    %c0_i32_0 = arith.constant 0 : i32
    return %arg0, %c0_i32 : i32, i32
  }
}

module attributes {stable_mosaic.version = 14 : i64} {
  func.func @_fuse_body(%arg0: i32, %arg1: memref<1024x512xf32, #tpu.memory_space<vmem>>, %arg2: memref<1024x512xf32, #tpu.memory_space<vmem>>, %arg3: memref<512x512xf32, #tpu.memory_space<vmem>>, %arg4: memref<512x512xf32, #tpu.memory_space<vmem>>, %arg5: memref<1x512xf32, #tpu.memory_space<vmem>>, %arg6: memref<1x512xf32, #tpu.memory_space<vmem>>, %arg7: memref<1x1xf32, #tpu.memory_space<vmem>>, %arg8: memref<1024x512xf32, #tpu.memory_space<vmem>>) attributes {dimension_semantics = [#tpu.dimension_semantics<parallel>], iteration_bounds = array<i64: 4>, scalar_prefetch = 0 : i64, scratch_operands = 0 : i64, tpu.core_type = #tpu.core_type<tc>, window_params = [{transform_indices = @transform_0, window_bounds = array<i64: 1024, 512>}, {transform_indices = @transform_1, window_bounds = array<i64: 1024, 512>}, {pipeline_mode = #tpu.pipeline_mode<synchronous>, transform_indices = @transform_2, window_bounds = array<i64: 512, 512>}, {pipeline_mode = #tpu.pipeline_mode<synchronous>, transform_indices = @transform_3, window_bounds = array<i64: 512, 512>}, {pipeline_mode = #tpu.pipeline_mode<synchronous>, transform_indices = @transform_4, window_bounds = array<i64: 1, 512>}, {pipeline_mode = #tpu.pipeline_mode<synchronous>, transform_indices = @transform_5, window_bounds = array<i64: 1, 512>}, {pipeline_mode = #tpu.pipeline_mode<synchronous>, transform_indices = @transform_6, window_bounds = array<i64: 1, 1>}, {transform_indices = @transform_7, window_bounds = array<i64: 1024, 512>}]} {
    %get3A = arith.constant 0 : index
    %get3A_0 = arith.constant 0 : index
    %get3A_1 = vector.load %arg1[%get3A, %get3A_0] : memref<1024x512xf32, #tpu.memory_space<vmem>>, vector<1024x512xf32>
    %get3A_2 = arith.constant 0 : index
    %get3A_3 = arith.constant 0 : index
    %get3A_4 = vector.load %arg2[%get3A_2, %get3A_3] : memref<1024x512xf32, #tpu.memory_space<vmem>>, vector<1024x512xf32>
    %get3A_5 = arith.constant 0 : index
    %get3A_6 = arith.constant 0 : index
    %get3A_7 = vector.load %arg3[%get3A_5, %get3A_6] : memref<512x512xf32, #tpu.memory_space<vmem>>, vector<512x512xf32>
    %dot_general3A = arith.constant dense<0.000000e+00> : vector<1024x512xf32>
    %dot_general3A_8 = tpu.matmul %get3A_1, %get3A_7, %dot_general3A {dimension_numbers = #tpu.dot_dimension_numbers<[1], [0], [0], [1], [0, 0, 1, 1], [], []>, transpose_lhs_hint = false} : vector<1024x512xf32>, vector<512x512xf32>, vector<1024x512xf32> -> vector<1024x512xf32>
    %get3A_9 = arith.constant 0 : index
    %get3A_10 = arith.constant 0 : index
    %get3A_11 = vector.load %arg4[%get3A_9, %get3A_10] : memref<512x512xf32, #tpu.memory_space<vmem>>, vector<512x512xf32>
    %dot_general3A_12 = arith.constant dense<0.000000e+00> : vector<1024x512xf32>
    %dot_general3A_13 = tpu.matmul %get3A_4, %get3A_11, %dot_general3A_12 {dimension_numbers = #tpu.dot_dimension_numbers<[1], [0], [0], [1], [0, 0, 1, 1], [], []>, transpose_lhs_hint = false} : vector<1024x512xf32>, vector<512x512xf32>, vector<1024x512xf32> -> vector<1024x512xf32>
    %add3A = arith.addf %dot_general3A_8, %dot_general3A_13 : vector<1024x512xf32>
    %get3A_14 = arith.constant 0 : index
    %get3A_15 = arith.constant 0 : index
    %get3A_16 = vector.load %arg5[%get3A_14, %get3A_15] : memref<1x512xf32, #tpu.memory_space<vmem>>, vector<1x512xf32>
    %add3A_17 = vector.broadcast %get3A_16 : vector<1x512xf32> to vector<1024x512xf32>
    %add3A_18 = arith.addf %add3A, %add3A_17 : vector<1024x512xf32>
    %max3A = arith.constant 0.000000e+00 : f32
    %max3A_19 = vector.broadcast %max3A : f32 to vector<1024x512xf32>
    %max3A_20 = arith.maximumf %add3A_18, %max3A_19 : vector<1024x512xf32>
    %get3A_21 = arith.constant 0 : index
    %get3A_22 = arith.constant 0 : index
    %get3A_23 = vector.load %arg6[%get3A_21, %get3A_22] : memref<1x512xf32, #tpu.memory_space<vmem>>, vector<1x512xf32>
    %mul3A = vector.broadcast %get3A_23 : vector<1x512xf32> to vector<1024x512xf32>
    %mul3A_24 = arith.mulf %max3A_20, %mul3A : vector<1024x512xf32>
    %reduce_sum3A = arith.constant dense<0.000000e+00> : vector<1024xf32>
    %reduce_sum3A_25 = vector.multi_reduction <add>, %mul3A_24, %reduce_sum3A [1] : vector<1024x512xf32> to vector<1024xf32>
    %broadcast_in_dim3A = vector.shape_cast %reduce_sum3A_25 : vector<1024xf32> to vector<1024x1xf32>
    %get3A_26 = arith.constant 0 : index
    %get3A_27 = arith.constant 0 : index
    %get3A_28 = vector.load %arg7[%get3A_26, %get3A_27] : memref<1x1xf32, #tpu.memory_space<vmem>>, vector<1x1xf32>
    %add3A_29 = vector.broadcast %get3A_28 : vector<1x1xf32> to vector<1024x1xf32>
    %add3A_30 = arith.addf %broadcast_in_dim3A, %add3A_29 : vector<1024x1xf32>
    %logistic3A = arith.negf %add3A_30 : vector<1024x1xf32>
    %logistic3A_31 = math.exp %logistic3A : vector<1024x1xf32>
    %logistic3A_32 = arith.constant 1.000000e+00 : f32
    %logistic3A_33 = vector.broadcast %logistic3A_32 : f32 to vector<1024x1xf32>
    %logistic3A_34 = arith.addf %logistic3A_33, %logistic3A_31 : vector<1024x1xf32>
    %logistic3A_35 = arith.divf %logistic3A_33, %logistic3A_34 : vector<1024x1xf32>
    %mul3A_36 = vector.broadcast %logistic3A_35 : vector<1024x1xf32> to vector<1024x512xf32>
    %mul3A_37 = arith.mulf %mul3A_36, %get3A_1 : vector<1024x512xf32>
    %sub3A = arith.constant 1.000000e+00 : f32
    %sub3A_38 = vector.broadcast %sub3A : f32 to vector<1024x1xf32>
    %sub3A_39 = arith.subf %sub3A_38, %logistic3A_35 : vector<1024x1xf32>
    %mul3A_40 = vector.broadcast %sub3A_39 : vector<1024x1xf32> to vector<1024x512xf32>
    %mul3A_41 = arith.mulf %mul3A_40, %get3A_4 : vector<1024x512xf32>
    %add3A_42 = arith.addf %mul3A_37, %mul3A_41 : vector<1024x512xf32>
    %swap3A = arith.constant 0 : index
    %swap3A_43 = arith.constant 0 : index
    %swap3A_44 = vector.load %arg8[%swap3A, %swap3A_43] : memref<1024x512xf32, #tpu.memory_space<vmem>>, vector<1024x512xf32>
    tpu.vector_store %arg8[%swap3A, %swap3A_43], %add3A_42 {strides = array<i32>} : memref<1024x512xf32, #tpu.memory_space<vmem>>, vector<1024x512xf32>,
    return
  }
  func.func @transform_0(%arg0: i32) -> (i32, i32) {
    %c0_i32 = arith.constant 0 : i32
    %c0_i32_0 = arith.constant 0 : i32
    return %arg0, %c0_i32 : i32, i32
  }
  func.func @transform_1(%arg0: i32) -> (i32, i32) {
    %c0_i32 = arith.constant 0 : i32
    %c0_i32_0 = arith.constant 0 : i32
    return %arg0, %c0_i32 : i32, i32
  }
  func.func @transform_2(%arg0: i32) -> (i32, i32) {
    %c0_i32 = arith.constant 0 : i32
    %c0_i32_0 = arith.constant 0 : i32
    %c0_i32_1 = arith.constant 0 : i32
    return %c0_i32, %c0_i32_0 : i32, i32
  }
  func.func @transform_3(%arg0: i32) -> (i32, i32) {
    %c0_i32 = arith.constant 0 : i32
    %c0_i32_0 = arith.constant 0 : i32
    %c0_i32_1 = arith.constant 0 : i32
    return %c0_i32, %c0_i32_0 : i32, i32
  }
  func.func @transform_4(%arg0: i32) -> (i32, i32) {
    %c0_i32 = arith.constant 0 : i32
    %c0_i32_0 = arith.constant 0 : i32
    %c0_i32_1 = arith.constant 0 : i32
    return %c0_i32, %c0_i32_0 : i32, i32
  }
  func.func @transform_5(%arg0: i32) -> (i32, i32) {
    %c0_i32 = arith.constant 0 : i32
    %c0_i32_0 = arith.constant 0 : i32
    %c0_i32_1 = arith.constant 0 : i32
    return %c0_i32, %c0_i32_0 : i32, i32
  }
  func.func @transform_6(%arg0: i32) -> (i32, i32) {
    %c0_i32 = arith.constant 0 : i32
    %c0_i32_0 = arith.constant 0 : i32
    %c0_i32_1 = arith.constant 0 : i32
    return %c0_i32, %c0_i32_0 : i32, i32
  }
  func.func @transform_7(%arg0: i32) -> (i32, i32) {
    %c0_i32 = arith.constant 0 : i32
    %c0_i32_0 = arith.constant 0 : i32
    return %arg0, %c0_i32 : i32, i32
  }
}

</mosaic_0001>

<sc_bundles>
// kernel: kernel.5.cloned.1.call-start
scs
__scs_entry_jumppad:
0x0: {  	(pc) =	sbr.rel $0x88, $3  }
0x1: {  	(tag) =	ssettag $0x0;
	lr =	simm.s32 $0x1  }
0x2: {  	[smem:$0x3F9B] =	sst lr;
	_ =	strace $0xD0000000  }
0x3: {  	_ = 	snop  }
0x4: {  	_ = 	snop  }
0x5: {  	_ = 	snop  }
0x6: {  	_ = 	snop  }
0x7: {  	_ = 	snop  }
__scs_overlays_trampoline_lowered:
0x8: {  	[smem:$0x3FAA] =	sst s0  }
0x9: {  	[smem:$0x3FAB] =	sst s1  }
0xa: {  	[smem:$0x3FAC] =	sst s2  }
0xb: {  	[smem:$0x3FAD] =	sst s3  }
0xc: {  	[smem:$0x3FAE] =	sst s4  }
0xd: {  	[smem:$0x3FAF] =	sst s5  }
0xe: {  	[smem:$0x3FB0] =	sst s6  }
0xf: {  	[smem:$0x3FB1] =	sst s7  }
0x10: {  	[smem:$0x3FB2] =	sst s8  }
0x11: {  	[smem:$0x3FB3] =	sst s9;
	s0 =	simm.s32 @!p0 $0x0  }
0x12: {  	s1 =	sld [smem:$0x3F99];
	s0 =	simm.s32 @p0 $0x1  }
0x13: {  	[smem:$0x3FB4] =	sst s0;
	s0 =	simm.s32 @!p1 $0x0  }
0x14: {  	s2 =	sld [smem:$0x3F98];
	s0 =	simm.s32 @p1 $0x1  }
0x15: {  	[smem:$0x3FB5] =	sst s0;
	s0 =	simm.s32 @!p2 $0x0  }
0x16: {  	s3 =	sld [smem:$0x3FDB];
	s0 =	simm.s32 @p2 $0x1  }
0x17: {  	s4 =	simm.s32 $0x1BF5;
	[smem:$0x3FB7] =	sst s0  }
0x18: {  	s0 =	sld [smem:$0x3F9A];
	_ =	swait.ge [sflag:s4], $0x0  }
0x19: {  	s7 =	sld [smem:$0x3F9B]  }
0x1a: {  	s8 =	sadd.s32 $0xFFFFE003, lr  }
0x1b: {  	s9 =	sadd.s32 $0xFFFFFEF7, lr;
	s5 =	simm.s32 $0xFFFFFFFF;
	p2 =	slt.u32 s8, $0xFFFFF086  }
0x1c: {  	p1 =	slt.u32 s9, $0xF7A;
	s5 =	simm.s32 @!p2 $0x0  }
0x1d: {  	s5 =	simm.s32 @p1 $0x1;
	p0 =	seq.s32 s7, s2  }
0x1e: {  	s7 =	smul.u32 @!p0 $0xF7A, s2;
	p2 =	seq.s32 @!p0 s5, $0x0  }
0x1f: {  	s9 =	smul.u32 $0xF7A, s1;
	s8 =	simm.s32 @!p0 $0x1BF5;
	p2 =	por !p2, p0  }
0x20: {  	[sflag:s8] =	ssyncset.s32 @!p0 $0xFFFFF086;
	s6 =	sadd.s32 @!p0 s3, s7;
	s7 =	simm.s32 @!p0 $0x108  }
0x21: {  	s3 =	sadd.s32 s3, s9;
	s6 =	sadd.s32 @!p0 $0x88, s6;
	s7 =	simm.s32 @p2 $0x1082  }
0x22: {  	[simem:s7], [sflag:s8] =	dma.local @!p0 [hbm:s6], $0xF7A  }
0x23: {  	s9 =	sor.u32 $0xD0000000, s2;
	s6 =	simm.s32 $0x108;
	_ =	swait.ge @!p0 [sflag:s8], $0x0  }
0x24: {  	s3 =	sadd.s32 $0x88, s3;
	s6 =	simm.s32 @!p1 $0x1082;
	[sflag:s4] =	ssyncset.s32 $0xFFFFF086  }
0x25: {  	[simem:s6], [sflag:s4] =	dma.local [hbm:s3], $0xF7A  }
0x26: {  	[smem:$0x3F9B] =	sst s1;
	(tag) =	ssettag s2;
	_ =	strace s9  }
0x27: {  	s1 =	sld [smem:$0x3FAB]  }
0x28: {  	s2 =	sld [smem:$0x3FAC]  }
0x29: {  	s4 =	sld [smem:$0x3FAE]  }
0x2a: {  	p0 =	seq.s32 s5, $0x0;
	s5 =	sld [smem:$0x3FAF]  }
0x2b: {  	s6 =	sld [smem:$0x3FB0]  }
0x2c: {  	s7 =	sld [smem:$0x3FB1]  }
0x2d: {  	s3 =	simm.s32 $0x108;
	s8 =	sld [smem:$0x3FB2]  }
0x2e: {  	s3 =	simm.s32 @!p0 $0x1082;
	s9 =	sld [smem:$0x3FB3]  }
0x2f: {  	lr =	sadd.s32 s0, s3;
	s0 =	sld [smem:$0x3FAA]  }
0x30: {  	s3 =	sld [smem:$0x3FAD]  }
0x31: {  	[smem:$0x3FB6] =	sst s10  }
0x32: {  	s10 =	sld [smem:$0x3FB4];
	_ =	sdelay $0x3  }
0x33: {  	p0 =	seq.s32 s10, $0x1;
	s10 =	sld [smem:$0x3FB6];
	_ =	sdelay $0x3  }
0x34: {  	[smem:$0x3FB6] =	sst s10  }
0x35: {  	s10 =	sld [smem:$0x3FB5];
	_ =	sdelay $0x3  }
0x36: {  	p1 =	seq.s32 s10, $0x1;
	s10 =	sld [smem:$0x3FB6];
	_ =	sdelay $0x3  }
0x37: {  	[smem:$0x3FB6] =	sst s10  }
0x38: {  	s10 =	sld [smem:$0x3FB7]  }
0x39: {  	_ = 	snop;
	(pc) =	sbr.ind lr, $3  }
0x3a: {  	_ = 	snop  }
0x3b: {  	_ = 	snop  }
0x3c: {  	p2 =	seq.s32 s10, $0x1;
	s10 =	sld [smem:$0x3FB6]  }
0x3d: {  	_ =	shalt  }
0x3e: {  	_ =	shalt  }
0x3f: {  	_ =	shalt  }
0x40: {  	_ =	shalt  }
0x41: {  	_ =	shalt  }
0x42: {  	_ =	shalt  }
0x43: {  	_ =	shalt  }
0x44: {  	_ =	shalt  }
0x45: {  	_ =	shalt  }
0x46: {  	_ =	shalt  }
0x47: {  	_ =	shalt  }
0x48: {  	_ =	shalt  }
0x49: {  	_ =	shalt  }
0x4a: {  	_ =	shalt  }
0x4b: {  	_ =	shalt  }
0x4c: {  	_ =	shalt  }
0x4d: {  	_ =	shalt  }
0x4e: {  	_ =	shalt  }
0x4f: {  	_ =	shalt  }
0x50: {  	_ =	shalt  }
0x51: {  	_ =	shalt  }
0x52: {  	_ =	shalt  }
0x53: {  	_ =	shalt  }
0x54: {  	_ =	shalt  }
0x55: {  	_ =	shalt  }
0x56: {  	_ =	shalt  }
0x57: {  	_ =	shalt  }
0x58: {  	_ =	shalt  }
0x59: {  	_ =	shalt  }
0x5a: {  	_ =	shalt  }
0x5b: {  	_ =	shalt  }
0x5c: {  	_ =	shalt  }
0x5d: {  	_ =	shalt  }
0x5e: {  	_ =	shalt  }
0x5f: {  	_ =	shalt  }
0x60: {  	_ =	shalt  }
0x61: {  	_ =	shalt  }
0x62: {  	_ =	shalt  }
0x63: {  	_ =	shalt  }
0x64: {  	_ =	shalt  }
0x65: {  	_ =	shalt  }
0x66: {  	_ =	shalt  }
0x67: {  	_ =	shalt  }
0x68: {  	_ =	shalt  }
0x69: {  	_ =	shalt  }
0x6a: {  	_ =	shalt  }
0x6b: {  	_ =	shalt  }
0x6c: {  	_ =	shalt  }
0x6d: {  	_ =	shalt  }
0x6e: {  	_ =	shalt  }
0x6f: {  	_ =	shalt  }
0x70: {  	_ =	shalt  }
0x71: {  	_ =	shalt  }
0x72: {  	_ =	shalt  }
0x73: {  	_ =	shalt  }
0x74: {  	_ =	shalt  }
0x75: {  	_ =	shalt  }
0x76: {  	_ =	shalt  }
0x77: {  	_ =	shalt  }
0x78: {  	_ =	shalt  }
0x79: {  	_ =	shalt  }
0x7a: {  	_ =	shalt  }
0x7b: {  	_ =	shalt  }
0x7c: {  	_ =	shalt  }
0x7d: {  	_ =	shalt  }
0x7e: {  	_ =	shalt  }
0x7f: {  	_ =	shalt  }
0x80: {  	_ =	shalt  }
0x81: {  	_ =	shalt  }
0x82: {  	_ =	shalt  }
0x83: {  	_ =	shalt  }
0x84: {  	_ =	shalt  }
0x85: {  	_ =	shalt  }
0x86: {  	_ =	shalt  }
0x87: {  	_ =	shalt  }
.Lfunc_end0:
.L_simem_size_0:
called_computation_lowered:
.L_overlay_start_0:
0x88: {  	s2 =	sld [smem:$0x3FD9]  }
0x89: {  	s3 =	sld [smem:$0x3FFE];
	_ =	sdelay $0x1  }
0x8a: {  	s1 =	srdreg.scid  }
0x8b: {  	s0 =	sand.u32 $0x1, s1  }
0x8c: {  	s17 =	sshll.u32 s0, $0xA;
	s2 =	sadd.s32 s3, s2  }
0x8d: {  	s2 =	sadd.s32 s2, s17  }
0x8e: {  	[smem:$0x3FC2] =	sst s2  }
0x8f: {  	_ = 	snop  }
0x90: {  	s2 =	sld [smem:$0x3FC8]  }
0x91: {  	s18 =	sld [smem:$0x3FD0];
	(tm) =	ssettm $0x1  }
0x92: {  	s4 =	sld [smem:$0x3FFB];
	_ =	sdelay $0x3  }
0x93: {  	_ =	strace s4  }
0x94: {  	s4 =	sld [smem:$0x3FFC];
	_ =	sdelay $0x3  }
0x95: {  	_ =	strace s4  }
0x96: {  	s4 =	sld [smem:$0x3FFD];
	_ =	sdelay $0x3  }
0x97: {  	_ =	strace s4  }
0x98: {  	_ =	strace $0x8FFFFFFF  }
0x99: {  	s19 =	sld [smem:$0x3FDB];
	_ =	sdelay $0x1  }
0x9a: {  	s5 =	simm.s32 $_scs_section_size  }
0x9b: {  	s6 =	simm.s32 $_size__tile_overlayer_lowered;
	s7 =	simm.s32 $_tile_overlayer_lowered  }
0x9c: {  	s22 =	simm.s32 $0x1BFF;
	s21 =	sshll.u32 s7, $0x1;
	s4 =	sadd.s32 s5, s19  }
0x9d: {  	s8 =	simm.s32 $0x0;
	s20 =	sshll.u32 s6, $0x1;
	s6 =	sadd.s32 s21, s4  }
0x9e: {  	[timem:s8], [sflag:s22] =	dma.local [hbm:s6], s20  }
0x9f: {  	_ =	swait.ge [sflag:s22], s20  }
0xa0: {  	s5 =	ssub.s32 $0x0, s20;
	[sflag:s22] =	ssyncset.done $0x0  }
0xa1: {  	[sflag:s22] =	ssyncadd.s32 s5;
	_ =	sdelay $0x1  }
0xa2: {  	s23 =	simm.s32 $0x1B8B  }
0xa3: {  	_ =	swait.ge [sflag:s23], $0x1  }
0xa4: {  	[sflag:s23] =	ssyncset.done $0x0  }
0xa5: {  	s25 =	simm.s32 $0x1B8E;
	s24 =	sld [smem:$0x3FFE];
	[sflag:s23] =	ssyncadd.s32 $0xFFFFFFFF  }
0xa6: {  	s26 =	simm.s32 $execute0_lowered;
	[smem:$0x3FD2] =	sst s25  }
0xa7: {  	s6 =	sshll.u32 s26, $0x1;
	_ =	strace $0x80000046;
	[dreg:$0x1] =	wrdreg $0xFFFFFFFF  }
0xa8: {  	s28 =	simm.s32 $_size_execute0_lowered;
	s4 =	sadd.s32 s4, s6;
	[dreg:$0x0] =	wrdreg $0x0  }
0xa9: {  	s6 =	sshll.u32 s28, $0x1;
	[dreg:$0x2] =	wrdreg s4  }
0xaa: {  	[dreg:$0x3] =	wrdreg s6  }
0xab: {  	[dreg:$0x4] =	wrdreg $0xC0  }
0xac: {  	_ =	task [dreg:s8], $0x5FFFF  }
0xad: {  	[dreg:$0x1] =	wrdreg $0xFFFFFFFF  }
0xae: {  	[dreg:$0x0] =	wrdreg $0x60  }
0xaf: {  	[dreg:$0x2] =	wrdreg s2  }
0xb0: {  	[dreg:$0x3] =	wrdreg s24  }
0xb1: {  	[dreg:$0x4] =	wrdreg s18  }
0xb2: {  	[dreg:$0x5] =	wrdreg $0x9  }
0xb3: {  	_ =	task.clear_ibuf [dreg:s8], $0x6FFFF;
	_ =	strace $0x90000046  }
0xb4: {  	s29 =	simm.s32 $0x9;
	_ =	strace $0x80000048  }
0xb5: {  	_ =	swait.ge [sflag:s29], $0x1  }
0xb6: {  	[sflag:s29] =	ssyncadd.s32 $0xFFFFFFFF  }
0xb7: {  	_ =	strace $0x90000048  }
0xb8: {  	_ =	sfence  }
0xb9: {  	s30 =	sld [smem:$0x0];
	_ =	sdelay $0x2  }
0xba: {  	s31 =	sshll.u32 s1, $0xD;
	s1 =	sshrl.u32 s1, $0x2  }
0xbb: {  	s3 =	sand.u32 $0x4000, s31;
	s1 =	sadd.s32 s1, s30  }
0xbc: {  	s0 =	sor.u32 s3, s0;
	s1 =	sshll.u32 s1, $0x11  }
0xbd: {  	s0 =	sor.u32 s1, s0  }
0xbe: {  	s0 =	sadd.s32 $0x8F2B, s0  }
0xbf: {  	[sflag:s0] =	ssyncadd.remote.s32 $0x1  }
0xc0: {  	_ =	sfence.sel $0xFFFF  }
0xc1: {  	[dreg:$0x0] =	wrdreg $0xFFFFFFFF;
	(pc) =	sbr.abs _section_cstart, $3  }
0xc2: {  	[dreg:$0x1] =	wrdreg $0xFFFFFFFF  }
0xc3: {  	_ =	task.clear_ibuf [dreg:s8], $0x2FFFF;
	_ =	strace $0x9FFFFFFF  }
0xc4: {  	(tm) =	ssettm $0x7FFFFFFF  }
0xc5: {  	_ =	shalt  }
tec
execute0_lowered:
.L_overlay_start_1:
0x0: {  	(tag) =	ssettag $0x1  }
0x1: {  	s1 =	rddreg [dreg:$0x0]  }
0x2: {  	s2 =	srdreg.scid;
	s4 =	rddreg [dreg:$0x1]  }
0x3: {  	s0 =	stileid.u32;
	s6 =	rddreg [dreg:$0x2]  }
0x4: {  	s18 =	simm.s32 $0x880;
	s19 =	simm.s32 $0x1080;
	s20 =	simm.s32 $0x1880  }
0x5: {  	s21 =	simm.s32 $0x2080;
	s23 =	simm.s32 $0x2880;
	s24 =	simm.s32 $0x3080  }
0x6: {  	s25 =	simm.s32 $0x3880;
	s26 =	simm.s32 $0x4080;
	s9 =	simm.s32 $0x5080  }
0x7: {  	s10 =	simm.s32 $0x5880;
	s11 =	simm.s32 $0x6080;
	s12 =	simm.s32 $0x6880  }
0x8: {  	s13 =	simm.s32 $0x7080;
	s14 =	simm.s32 $0x7880;
	s2 =	sand.u32 $0x1, s2  }
0x9: {  	s15 =	simm.s32 $0x8080;
	s3 =	sshll.u32 s0, $0x8;
	s5 =	sshll.u32 s2, $0x7  }
0xa: {  	s16 =	simm.s32 $0x8880;
	s5 =	sor.u32 s5, s3;
	s3 =	simm.s32 $0x0  }
0xb: {  	s28 =	simm.s32 $0xE080;
	s29 =	simm.s32 $0xE880;
	[smem:$0x7FF] =	sst s3  }
0xc: {  	s30 =	simm.s32 $0xF080;
	_ =	strace $0x80000047;
	[dreg:$0x6] =	wrdreg s18  }
0xd: {  	s31 =	simm.s32 $0xF880;
	s2 =	ssub.s32 $0x2, s2;
	[dreg:$0x7] =	wrdreg s19  }
0xe: {  	s22 =	sshrl.u32 s2, $0x1;
	s7 =	sshrl.u32 s5, $0x3;
	[dreg:$0x8] =	wrdreg s20  }
0xf: {  	s5 =	sshll.u32 s5, $0x6;
	s2 =	ssub.s32 s2, s22;
	[dreg:$0x9] =	wrdreg s21  }
0x10: {  	s22 =	simm.s32 $0xB880;
	s4 =	sadd.s32 s7, s4;
	[dreg:$0xa] =	wrdreg s23  }
0x11: {  	s17 =	sadd.s32 s6, s5;
	[dreg:$0xb] =	wrdreg s24;
	s5 =	smax.u32 s2, $0x1  }
0x12: {  	[dreg:$0xc] =	wrdreg s25;
	s6 =	simm.s32 $0x2;
	s7 =	simm.s32 $0x80  }
0x13: {  	[dreg:$0xd] =	wrdreg s26;
	s18 =	simm.s32 $0x9880;
	s19 =	simm.s32 $0xA080  }
0x14: {  	s20 =	simm.s32 $0xA880;
	s21 =	simm.s32 $0xB080;
	s23 =	simm.s32 $0xC080  }
0x15: {  	v2 =	vlaneseq.u32;
	s24 =	simm.s32 $0xC880;
	s25 =	simm.s32 $0xD080;
	s26 =	simm.s32 $0xD880  }
0x16: {  	vm0 =	vmmov $0xffff;
	v1 =	vshrl.u32 v2, $0x3;
	s2 =	simm.s32 $0x1;
	s4 =	sadd.s32 $0x600, s4;
	[dreg:$0x5] =	wrdreg s17  }
0x17: {  	v0 =	vand.u32 $0x7, v2;
	v2 =	vor.u32 $0x8, v2;
	v1 =	vmul.u32 $0x8, v1;
	s17 =	simm.s32 $0x9080;
	[dreg:$0x4] =	wrdreg s4;
	s4 =	sadd.s32 $0x100, s1  }
.LBB2_1:
0x18: {  	s0 =	rddreg [dreg:$0x4]  }
0x19: {  	[tilespmem:s3], [sflag:$0x2] =	stream.linear.gather [hbm4b:s0+s3], $0x80, $0x38;
	[tilespmem:$0x10080] =	vst v63  }
0x1a: {  	_ =	swait.ge [sflag:s6], $0x80  }
0x1b: {  	[sflag:s6] =	ssyncset.done $0x0  }
0x1c: {  	[sflag:s6] =	ssyncadd.s32 $0xFFFFFF80  }
0x1d: {  	v3 =	vld [tilespmem:$0x0];
	_ =	sdelay $0x4  }
0x1e: {  	v4 =	vshll.u32 v3, $0x2  }
0x1f: {  	v3 =	vand.u32 $0x7, v3;
	v4 =	vand.u32 $0xFFFFFFE0, v4  }
0x20: {  	v3 =	vor.u32 v3, v4  }
0x21: {  	v4 =	vperm.xlane v3, v0;
	_ =	sdelay $0x1  }
0x22: {  	v4 =	vadd.s32 v1, v4;
	_ =	sdelay $0x1  }
0x23: {  	v3 =	vperm.xlane v3, v2;
	_ =	sdelay $0x1  }
0x24: {  	v3 =	vadd.s32 v1, v3  }
0x25: {  	[tilespmem:s7], [sflag:$0x1] =	stream.indirect_vreg.gather [hbm4b:s1+s3], $0x80, v4, vm0, $0xb8;
	[tilespmem:$0x10080] =	vst v63  }
0x26: {  	s0 =	rddreg [dreg:$0x6]  }
0x27: {  	[tilespmem:s0], [sflag:$0x1] =	stream.indirect_vreg.gather [hbm4b:s4+s3], $0x80, v4, vm0, $0xb8;
	[tilespmem:$0x10080] =	vst v63  }
0x28: {  	s8 =	rddreg [dreg:$0x7]  }
0x29: {  	[tilespmem:s8], [sflag:$0x1] =	stream.indirect_vreg.gather [hbm4b:s1+s3], $0x80, v3, vm0, $0xb8;
	[tilespmem:$0x10080] =	vst v63  }
0x2a: {  	s0 =	rddreg [dreg:$0x8]  }
0x2b: {  	[tilespmem:s0], [sflag:$0x1] =	stream.indirect_vreg.gather [hbm4b:s4+s3], $0x80, v3, vm0, $0xb8;
	[tilespmem:$0x10080] =	vst v63  }
0x2c: {  	v3 =	vld [tilespmem:$0x10];
	_ =	sdelay $0x4  }
0x2d: {  	v57 =	vshll.u32 v3, $0x2  }
0x2e: {  	v3 =	vand.u32 $0x7, v3;
	v4 =	vand.u32 $0xFFFFFFE0, v57  }
0x2f: {  	v3 =	vor.u32 v3, v4  }
0x30: {  	v4 =	vperm.xlane v3, v0;
	_ =	sdelay $0x1  }
0x31: {  	v4 =	vadd.s32 v1, v4;
	_ =	sdelay $0x1  }
0x32: {  	v3 =	vperm.xlane v3, v2;
	_ =	sdelay $0x1  }
0x33: {  	s0 =	rddreg [dreg:$0x9];
	v3 =	vadd.s32 v1, v3  }
0x34: {  	[tilespmem:s0], [sflag:$0x1] =	stream.indirect_vreg.gather [hbm4b:s1+s3], $0x80, v4, vm0, $0xb8;
	[tilespmem:$0x10080] =	vst v63  }
0x35: {  	s8 =	rddreg [dreg:$0xa]  }
0x36: {  	[tilespmem:s8], [sflag:$0x1] =	stream.indirect_vreg.gather [hbm4b:s4+s3], $0x80, v4, vm0, $0xb8;
	[tilespmem:$0x10080] =	vst v63  }
0x37: {  	s0 =	rddreg [dreg:$0xb]  }
0x38: {  	[tilespmem:s0], [sflag:$0x1] =	stream.indirect_vreg.gather [hbm4b:s1+s3], $0x80, v3, vm0, $0xb8;
	[tilespmem:$0x10080] =	vst v63  }
0x39: {  	s8 =	rddreg [dreg:$0xc]  }
0x3a: {  	[tilespmem:s8], [sflag:$0x1] =	stream.indirect_vreg.gather [hbm4b:s4+s3], $0x80, v3, vm0, $0xb8;
	[tilespmem:$0x10080] =	vst v63  }
0x3b: {  	v3 =	vld [tilespmem:$0x20];
	_ =	sdelay $0x4  }
0x3c: {  	v58 =	vshll.u32 v3, $0x2  }
0x3d: {  	v3 =	vand.u32 $0x7, v3;
	v4 =	vand.u32 $0xFFFFFFE0, v58  }
0x3e: {  	v3 =	vor.u32 v3, v4  }
0x3f: {  	v4 =	vperm.xlane v3, v0;
	_ =	sdelay $0x1  }
0x40: {  	v4 =	vadd.s32 v1, v4;
	_ =	sdelay $0x1  }
0x41: {  	v3 =	vperm.xlane v3, v2;
	_ =	sdelay $0x1  }
0x42: {  	s8 =	rddreg [dreg:$0xd];
	v3 =	vadd.s32 v1, v3  }
0x43: {  	[tilespmem:s8], [sflag:$0x1] =	stream.indirect_vreg.gather [hbm4b:s1+s3], $0x80, v4, vm0, $0xb8;
	[tilespmem:$0x10080] =	vst v63  }
0x44: {  	s8 =	simm.s32 $0x4880  }
0x45: {  	[tilespmem:s8], [sflag:$0x1] =	stream.indirect_vreg.gather [hbm4b:s4+s3], $0x80, v4, vm0, $0xb8;
	[tilespmem:$0x10080] =	vst v63  }
0x46: {  	_ = 	snop  }
0x47: {  	[tilespmem:s9], [sflag:$0x1] =	stream.indirect_vreg.gather [hbm4b:s1+s3], $0x80, v3, vm0, $0xb8;
	[tilespmem:$0x10080] =	vst v63  }
0x48: {  	_ = 	snop  }
0x49: {  	[tilespmem:s10], [sflag:$0x1] =	stream.indirect_vreg.gather [hbm4b:s4+s3], $0x80, v3, vm0, $0xb8;
	[tilespmem:$0x10080] =	vst v63  }
0x4a: {  	v3 =	vld [tilespmem:$0x30];
	_ =	sdelay $0x4  }
0x4b: {  	v59 =	vshll.u32 v3, $0x2  }
0x4c: {  	v3 =	vand.u32 $0x7, v3;
	v4 =	vand.u32 $0xFFFFFFE0, v59  }
0x4d: {  	v3 =	vor.u32 v3, v4  }
0x4e: {  	v4 =	vperm.xlane v3, v0;
	_ =	sdelay $0x1  }
0x4f: {  	v4 =	vadd.s32 v1, v4;
	_ =	sdelay $0x1  }
0x50: {  	v3 =	vperm.xlane v3, v2;
	_ =	sdelay $0x1  }
0x51: {  	v3 =	vadd.s32 v1, v3  }
0x52: {  	[tilespmem:s11], [sflag:$0x1] =	stream.indirect_vreg.gather [hbm4b:s1+s3], $0x80, v4, vm0, $0xb8;
	[tilespmem:$0x10080] =	vst v63  }
0x53: {  	_ = 	snop  }
0x54: {  	[tilespmem:s12], [sflag:$0x1] =	stream.indirect_vreg.gather [hbm4b:s4+s3], $0x80, v4, vm0, $0xb8;
	[tilespmem:$0x10080] =	vst v63  }
0x55: {  	_ = 	snop  }
0x56: {  	[tilespmem:s13], [sflag:$0x1] =	stream.indirect_vreg.gather [hbm4b:s1+s3], $0x80, v3, vm0, $0xb8;
	[tilespmem:$0x10080] =	vst v63  }
0x57: {  	_ = 	snop  }
0x58: {  	[tilespmem:s14], [sflag:$0x1] =	stream.indirect_vreg.gather [hbm4b:s4+s3], $0x80, v3, vm0, $0xb8;
	[tilespmem:$0x10080] =	vst v63  }
0x59: {  	v3 =	vld [tilespmem:$0x40];
	_ =	sdelay $0x4  }
0x5a: {  	v60 =	vshll.u32 v3, $0x2  }
0x5b: {  	v3 =	vand.u32 $0x7, v3;
	v4 =	vand.u32 $0xFFFFFFE0, v60  }
0x5c: {  	v3 =	vor.u32 v3, v4  }
0x5d: {  	v4 =	vperm.xlane v3, v0;
	_ =	sdelay $0x1  }
0x5e: {  	v4 =	vadd.s32 v1, v4;
	_ =	sdelay $0x1  }
0x5f: {  	v3 =	vperm.xlane v3, v2;
	_ =	sdelay $0x1  }
0x60: {  	v3 =	vadd.s32 v1, v3  }
0x61: {  	[tilespmem:s15], [sflag:$0x1] =	stream.indirect_vreg.gather [hbm4b:s1+s3], $0x80, v4, vm0, $0xb8;
	[tilespmem:$0x10080] =	vst v63  }
0x62: {  	_ = 	snop  }
0x63: {  	[tilespmem:s16], [sflag:$0x1] =	stream.indirect_vreg.gather [hbm4b:s4+s3], $0x80, v4, vm0, $0xb8;
	[tilespmem:$0x10080] =	vst v63  }
0x64: {  	_ = 	snop  }
0x65: {  	[tilespmem:s17], [sflag:$0x1] =	stream.indirect_vreg.gather [hbm4b:s1+s3], $0x80, v3, vm0, $0xb8;
	[tilespmem:$0x10080] =	vst v63  }
0x66: {  	_ = 	snop  }
0x67: {  	[tilespmem:s18], [sflag:$0x1] =	stream.indirect_vreg.gather [hbm4b:s4+s3], $0x80, v3, vm0, $0xb8;
	[tilespmem:$0x10080] =	vst v63  }
0x68: {  	v3 =	vld [tilespmem:$0x50];
	_ =	sdelay $0x4  }
0x69: {  	v61 =	vshll.u32 v3, $0x2  }
0x6a: {  	v3 =	vand.u32 $0x7, v3;
	v4 =	vand.u32 $0xFFFFFFE0, v61  }
0x6b: {  	v3 =	vor.u32 v3, v4  }
0x6c: {  	v4 =	vperm.xlane v3, v0;
	_ =	sdelay $0x1  }
0x6d: {  	v4 =	vadd.s32 v1, v4;
	_ =	sdelay $0x1  }
0x6e: {  	v3 =	vperm.xlane v3, v2;
	_ =	sdelay $0x1  }
0x6f: {  	v3 =	vadd.s32 v1, v3  }
0x70: {  	[tilespmem:s19], [sflag:$0x1] =	stream.indirect_vreg.gather [hbm4b:s1+s3], $0x80, v4, vm0, $0xb8;
	[tilespmem:$0x10080] =	vst v63  }
0x71: {  	_ = 	snop  }
0x72: {  	[tilespmem:s20], [sflag:$0x1] =	stream.indirect_vreg.gather [hbm4b:s4+s3], $0x80, v4, vm0, $0xb8;
	[tilespmem:$0x10080] =	vst v63  }
0x73: {  	_ = 	snop  }
0x74: {  	[tilespmem:s21], [sflag:$0x1] =	stream.indirect_vreg.gather [hbm4b:s1+s3], $0x80, v3, vm0, $0xb8;
	[tilespmem:$0x10080] =	vst v63  }
0x75: {  	_ = 	snop  }
0x76: {  	[tilespmem:s22], [sflag:$0x1] =	stream.indirect_vreg.gather [hbm4b:s4+s3], $0x80, v3, vm0, $0xb8;
	[tilespmem:$0x10080] =	vst v63  }
0x77: {  	v3 =	vld [tilespmem:$0x60];
	_ =	sdelay $0x4  }
0x78: {  	v62 =	vshll.u32 v3, $0x2  }
0x79: {  	v3 =	vand.u32 $0x7, v3;
	v4 =	vand.u32 $0xFFFFFFE0, v62  }
0x7a: {  	v3 =	vor.u32 v3, v4  }
0x7b: {  	v4 =	vperm.xlane v3, v0;
	_ =	sdelay $0x1  }
0x7c: {  	v4 =	vadd.s32 v1, v4;
	_ =	sdelay $0x1  }
0x7d: {  	v3 =	vperm.xlane v3, v2;
	_ =	sdelay $0x1  }
0x7e: {  	v3 =	vadd.s32 v1, v3  }
0x7f: {  	[tilespmem:s23], [sflag:$0x1] =	stream.indirect_vreg.gather [hbm4b:s1+s3], $0x80, v4, vm0, $0xb8;
	[tilespmem:$0x10080] =	vst v63  }
0x80: {  	_ = 	snop  }
0x81: {  	[tilespmem:s24], [sflag:$0x1] =	stream.indirect_vreg.gather [hbm4b:s4+s3], $0x80, v4, vm0, $0xb8;
	[tilespmem:$0x10080] =	vst v63  }
0x82: {  	_ = 	snop  }
0x83: {  	[tilespmem:s25], [sflag:$0x1] =	stream.indirect_vreg.gather [hbm4b:s1+s3], $0x80, v3, vm0, $0xb8;
	[tilespmem:$0x10080] =	vst v63  }
0x84: {  	_ = 	snop  }
0x85: {  	[tilespmem:s26], [sflag:$0x1] =	stream.indirect_vreg.gather [hbm4b:s4+s3], $0x80, v3, vm0, $0xb8;
	[tilespmem:$0x10080] =	vst v63  }
0x86: {  	v3 =	vld [tilespmem:$0x70];
	_ =	sdelay $0x4  }
0x87: {  	v63 =	vshll.u32 v3, $0x2  }
0x88: {  	v3 =	vand.u32 $0x7, v3;
	v4 =	vand.u32 $0xFFFFFFE0, v63  }
0x89: {  	v3 =	vor.u32 v3, v4  }
0x8a: {  	v4 =	vperm.xlane v3, v0;
	_ =	sdelay $0x1  }
0x8b: {  	v4 =	vadd.s32 v1, v4;
	_ =	sdelay $0x1  }
0x8c: {  	v3 =	vperm.xlane v3, v2;
	_ =	sdelay $0x1  }
0x8d: {  	v3 =	vadd.s32 v1, v3  }
0x8e: {  	[tilespmem:s28], [sflag:$0x1] =	stream.indirect_vreg.gather [hbm4b:s1+s3], $0x80, v4, vm0, $0xb8;
	[tilespmem:$0x10080] =	vst v63  }
0x8f: {  	_ = 	snop  }
0x90: {  	[tilespmem:s29], [sflag:$0x1] =	stream.indirect_vreg.gather [hbm4b:s4+s3], $0x80, v4, vm0, $0xb8;
	[tilespmem:$0x10080] =	vst v63  }
0x91: {  	_ = 	snop  }
0x92: {  	[tilespmem:s30], [sflag:$0x1] =	stream.indirect_vreg.gather [hbm4b:s1+s3], $0x80, v3, vm0, $0xb8;
	[tilespmem:$0x10080] =	vst v63  }
0x93: {  	_ = 	snop  }
0x94: {  	[tilespmem:s31], [sflag:$0x1] =	stream.indirect_vreg.gather [hbm4b:s4+s3], $0x80, v3, vm0, $0xb8;
	[tilespmem:$0x10080] =	vst v63  }
0x95: {  	_ =	swait.ge [sflag:s2], $0x10000  }
0x96: {  	p0 =	sne.s32 s5, $0x1;
	[sflag:s2] =	ssyncset.done $0x0  }
.Ltmp0:
0x97: {  	s8 =	rddreg [dreg:$0x5];
	[sflag:s2] =	ssyncadd.s32 $0xFFFF0000;
	(pc) =	sbr.rel @p0 .LBB2_1-.Ltmp0, $4  }
0x98: {  	[hbm4b:s8+s3] =	stream.linear.scatter [tilespmem:s7], [sflag:$0x2], $0x10000, $0x38;
	[tilespmem:$0x10080] =	vst v63  }
0x99: {  	_ =	swait.ge [sflag:s6], $0x10000  }
0x9a: {  	[sflag:s6] =	ssyncset.done $0x0  }
0x9b: {  	s5 =	sadd.s32 $0xFFFFFFFF, s5;
	[sflag:s6] =	ssyncadd.s32 $0xFFFF0000  }
0x9c: {  	_ =	sfence.sel $0x180000  }
0x9d: {  	[bflag:$0x0] =	sbarrier.arrive $0xFFFF  }
0x9e: {  	_ =	strace $0x90000047  }
0x9f: {  	s0 =	stileid.u32;
	[bflag:$0x2] =	sbarrier.arrive $0xFFFF  }
0xa0: {  	p0 =	sne.s32 s0, $0x0;
	s0 =	rddreg [dreg:$0x3]  }
0xa1: {  	s0 =	sadd.s32 @!p0 $0x100000, s0  }
0xa2: {  	[sflag:s0] =	ssyncadd.tile.s32 @!p0 $0x1;
	_ =	shalt  }
.Lfunc_end2:
_tile_overlayer_lowered:
.L_overlay_start_2:
0xa3: {  	(tag) =	ssettag $0x2  }
0xa4: {  	s0 =	rddreg [dreg:$0x0];
	s2 =	stileid.u32  }
0xa5: {  	s1 =	rddreg [dreg:$0x1];
	p0 =	sne.s32 s2, $0x0  }
0xa6: {  	s3 =	rddreg [dreg:$0x2];
	[bflag:$0x3] =	sbarrier.arrive $0xFFFF;
	s2 =	simm.s32 @!p0 $0x1C02  }
0xa7: {  	[timem:s3], [sflag:s2] =	dma.local @!p0 [hbm:s0], s1  }
0xa8: {  	s0 =	simm.s32 @!p0 $0x2  }
0xa9: {  	_ =	swait.ge @!p0 [sflag:s0], s1  }
0xaa: {  	s1 =	ssub.s32 @!p0 $0x0, s1;
	[sflag:s0] =	ssyncset.done @!p0 $0x0  }
0xab: {  	[sflag:s0] =	ssyncadd.s32 @!p0 s1  }
0xac: {  	[bflag:$0x3] =	sbarrier.arrive $0xFFFF  }
0xad: {  	_ =	shalt  }

</sc_bundles>
